<compile_context>
chip_gen: v7x
topology: tpu7x:2x2x1
jax: 0.10.2.dev20260603
libtpu: 0.0.44.dev20260713+nightly
codegen_flags: <defaults>
</compile_context>

<pallas_src>
import functools

import jax
import jax.numpy as jnp
from jax import lax
from jax.experimental import pallas as pl
from jax.experimental.pallas import tpu as pltpu
from jax.experimental.pallas import tpu_sc as plsc

D = 128
NC_CORES = 2
NS = 16
NW = NC_CORES * NS
SUB = 128
K = 2
CHUNK = K * SUB


def _sc_body(x_hbm, table_hbm, out_hbm, table_sh, idx_v, rows_v, g0, g1, s0, s1,
             *, n_chunks, per_w):
    sid = lax.axis_index("s")
    wid = sid * NC_CORES + lax.axis_index("c")
    base = wid * per_w
    idx_row0 = wid * (per_w // SUB)
    gsems = (g0, g1)
    ssems = (s0, s1)

    @pl.when(sid == 0)
    def _stage():
        pltpu.sync_copy(table_hbm, table_sh)

    plsc.subcore_barrier()

    def load_idx(i, b):
        pltpu.sync_copy(x_hbm.at[pl.ds(idx_row0 + i * K, K)], idx_v.at[b])

    def gather_descs(b):
        return [
            pltpu.make_async_copy(
                table_sh.at[idx_v.at[b, j]],
                rows_v.at[b, pl.ds(j * SUB, SUB)],
                gsems[b],
            )
            for j in range(K)
        ]

    def start_gather(b):
        for desc in gather_descs(b):
            desc.start()

    def wait_gather(b):
        for desc in gather_descs(b):
            desc.wait()

    def scatter_desc(i, b):
        return pltpu.make_async_copy(
            rows_v.at[b], out_hbm.at[pl.ds(base + i * CHUNK, CHUNK)], ssems[b])

    load_idx(0, 0)
    start_gather(0)
    load_idx(1, 1)
    start_gather(1)
    wait_gather(0)
    scatter_desc(0, 0).start()

    @pl.loop(1, n_chunks - 1, step=2)
    def _steady(outer):
        for db in range(2):
            i = outer + db
            b = 1 - db
            nb = db
            load_idx(i + 1, nb)
            scatter_desc(i - 1, nb).wait()
            start_gather(nb)
            wait_gather(b)
            scatter_desc(i, b).start()

    wait_gather(1)
    scatter_desc(n_chunks - 1, 1).start()
    scatter_desc(n_chunks - 2, 0).wait()
    scatter_desc(n_chunks - 1, 1).wait()


def kernel(x, pos_table):
    B = x.size
    assert B % (NW * CHUNK) == 0
    per_w = B // NW
    n_chunks = per_w // CHUNK
    assert n_chunks % 2 == 0 and n_chunks >= 4
    xf = x.reshape(B // SUB, SUB)

    mesh = plsc.VectorSubcoreMesh(core_axis_name="c", subcore_axis_name="s")
    out = pl.kernel(
        functools.partial(_sc_body, n_chunks=n_chunks, per_w=per_w),
        out_type=jax.ShapeDtypeStruct((B, D), jnp.float32),
        mesh=mesh,
        scratch_types=[
            pltpu.VMEM_SHARED((366, D), jnp.float32),
            pltpu.VMEM((2, K, SUB), jnp.int32),
            pltpu.VMEM((2, CHUNK, D), jnp.float32),
            pltpu.SemaphoreType.DMA,
            pltpu.SemaphoreType.DMA,
            pltpu.SemaphoreType.DMA,
            pltpu.SemaphoreType.DMA,
        ],
    )(xf, pos_table)
    return lax.stop_gradient(out.reshape(x.shape + (D,)))

# --- scband reference (transcript-rebuilt; emitter-appended) ---
"""Pipeline reference for scband-positional-encoding-27994596835540 (READ-ONLY COPY).

The authoritative reference and input builder live on the scoring server;
editing this copy changes nothing except your own understanding.
"""

import jax, jax.numpy as jnp
import numpy as np


def _sinusoid_table(n_position, d_hid, T):
    position = np.arange(n_position, dtype=np.float64)[:, None]
    hid = np.arange(d_hid)[None, :]
    angle = position / np.power(T, 2.0 * (hid // 2) / d_hid)
    table = angle.copy()
    table[:, 0::2] = np.sin(angle[:, 0::2])
    table[:, 1::2] = np.cos(angle[:, 1::2])
    return jnp.asarray(table, dtype=jnp.float32)


def setup_inputs(seed: int = 0) -> dict:
    key = jax.random.key(seed)
    x = jax.random.randint(key, (16384, 200), 0, 366, dtype=jnp.int32)
    pos_table = _sinusoid_table(366, 128, 365)
    return {"x": x, "pos_table": pos_table}


def reference(x, pos_table):
    # forward: self.pos_table[x, :].clone().detach()
    out = jnp.take(pos_table, x, axis=0)
    return jax.lax.stop_gradient(out)

if __name__ == "__main__":
    import jax
    _d = setup_inputs()
    print(jax.jit(kernel)(*tuple(_d.values())))

</pallas_src>

<mosaic_0001>
#map = affine_map<(d0, d1) -> (0, 0)>
module attributes {stable_mosaic.version = 14 : i64} {
  func.func @_sc_body(%arg0: i32, %arg1: i32, %arg2: memref<25600x128xi32, #tpu.memory_space<hbm>>, %arg3: memref<366x128xf32, #tpu.memory_space<hbm>>, %arg4: memref<3276800x128xf32, #tpu.memory_space<hbm>>, %arg5: memref<366x128xf32, #tpu.memory_space<vmem_shared>>, %arg6: memref<2x2x128xi32, #tpu.memory_space<vmem>>, %arg7: memref<2x256x128xf32, #tpu.memory_space<vmem>>, %arg8: memref<!tpu.dma_semaphore, #tpu.memory_space<semaphore_mem>>, %arg9: memref<!tpu.dma_semaphore, #tpu.memory_space<semaphore_mem>>, %arg10: memref<!tpu.dma_semaphore, #tpu.memory_space<semaphore_mem>>, %arg11: memref<!tpu.dma_semaphore, #tpu.memory_space<semaphore_mem>>) attributes {dimension_semantics = [#tpu.dimension_semantics<core_parallel>, #tpu.dimension_semantics<subcore_parallel>], iteration_bounds = array<i64: 2, 16>, scalar_prefetch = 0 : i64, scratch_operands = 7 : i64, tpu.core_type = #tpu.core_type<sc_vector_subcore>, window_params = [{transform_indices = #map}, {transform_indices = #map}, {transform_indices = #map}]} {
    %mul3A = arith.constant 2 : i32
    %mul3A_0 = arith.muli %arg1, %mul3A : i32
    %add3A = arith.addi %mul3A_0, %arg0 : i32
    %mul3A_1 = arith.constant 102400 : i32
    %mul3A_2 = arith.muli %add3A, %mul3A_1 : i32
    %mul3A_3 = arith.constant 800 : i32
    %mul3A_4 = arith.muli %add3A, %mul3A_3 : i32
    %eq3A = arith.constant 0 : i32
    %eq3A_5 = arith.cmpi eq, %arg1, %eq3A : i32
    %convert_element_type3A = arith.extui %eq3A_5 : i1 to i32
    %cond3A = arith.constant 0 : i32
    %cond3A_6 = arith.cmpi ne, %convert_element_type3A, %cond3A : i32
    scf.if %cond3A_6 {
      "tpu.region"() ({
        %run_scoped3A_178 = tpu.sem_alloc : memref<!tpu.dma_semaphore, #tpu.memory_space<semaphore_mem>>
        tpu.enqueue_dma source(%arg3 : memref<366x128xf32, #tpu.memory_space<hbm>>) target(%arg5 : memref<366x128xf32, #tpu.memory_space<vmem_shared>>) target_semaphore(%run_scoped3A_178 : memref<!tpu.dma_semaphore, #tpu.memory_space<semaphore_mem>>)
        tpu.wait_dma2 semaphore(%run_scoped3A_178 : memref<!tpu.dma_semaphore, #tpu.memory_space<semaphore_mem>>) src(%arg3 : memref<366x128xf32, #tpu.memory_space<hbm>>) dst(%arg5 : memref<366x128xf32, #tpu.memory_space<vmem_shared>>)
        tpu.yield
      }) : () -> ()
    } else {
    }
    %barrier3A = arith.constant 0 : index
    tpu.barrier barrier_id(%barrier3A)
    %add3A_7 = arith.constant 0 : i32
    %add3A_8 = arith.addi %mul3A_4, %add3A_7 : i32
    %run_scoped3A = arith.constant 0 : i32
    "tpu.region"() ({
      %run_scoped3A_178 = tpu.sem_alloc : memref<!tpu.dma_semaphore, #tpu.memory_space<semaphore_mem>>
      %dma_start3A_179 = arith.constant 0 : i32
      %dma_start3A_180 = arith.constant 0 : i32
      %dma_start3A_181 = tpu.memref_slice %arg6[%run_scoped3A, %dma_start3A_179, %dma_start3A_180] : memref<2x2x128xi32, #tpu.memory_space<vmem>> -> memref<1x2x128xi32, #tpu.memory_space<vmem>>
      %dma_start3A_182 = tpu.memref_squeeze %dma_start3A_181 : memref<1x2x128xi32, #tpu.memory_space<vmem>> -> memref<2x128xi32, #tpu.memory_space<vmem>>
      %dma_start3A_183 = arith.constant 0 : i32
      %dma_start3A_184 = tpu.memref_slice %arg2[%add3A_8, %dma_start3A_183] : memref<25600x128xi32, #tpu.memory_space<hbm>> -> memref<2x128xi32, #tpu.memory_space<hbm>>
      %dma_start3A_185 = arith.constant 0 : i32
      %dma_start3A_186 = arith.constant 0 : i32
      %dma_start3A_187 = tpu.memref_slice %arg6[%run_scoped3A, %dma_start3A_185, %dma_start3A_186] : memref<2x2x128xi32, #tpu.memory_space<vmem>> -> memref<1x2x128xi32, #tpu.memory_space<vmem>>
      %dma_start3A_188 = tpu.memref_squeeze %dma_start3A_187 : memref<1x2x128xi32, #tpu.memory_space<vmem>> -> memref<2x128xi32, #tpu.memory_space<vmem>>
      %dma_start3A_189 = arith.constant 0 : i32
      %dma_start3A_190 = tpu.memref_slice %arg2[%add3A_8, %dma_start3A_189] : memref<25600x128xi32, #tpu.memory_space<hbm>> -> memref<2x128xi32, #tpu.memory_space<hbm>>
      tpu.enqueue_dma source(%dma_start3A_190 : memref<2x128xi32, #tpu.memory_space<hbm>>) target(%dma_start3A_188 : memref<2x128xi32, #tpu.memory_space<vmem>>) target_semaphore(%run_scoped3A_178 : memref<!tpu.dma_semaphore, #tpu.memory_space<semaphore_mem>>)
      %dma_wait3A_191 = arith.constant 0 : i32
      %dma_wait3A_192 = arith.constant 0 : i32
      %dma_wait3A_193 = tpu.memref_slice %arg6[%run_scoped3A, %dma_wait3A_191, %dma_wait3A_192] : memref<2x2x128xi32, #tpu.memory_space<vmem>> -> memref<1x2x128xi32, #tpu.memory_space<vmem>>
      %dma_wait3A_194 = tpu.memref_squeeze %dma_wait3A_193 : memref<1x2x128xi32, #tpu.memory_space<vmem>> -> memref<2x128xi32, #tpu.memory_space<vmem>>
      %dma_wait3A_195 = arith.constant 0 : i32
      %dma_wait3A_196 = tpu.memref_slice %arg2[%add3A_8, %dma_wait3A_195] : memref<25600x128xi32, #tpu.memory_space<hbm>> -> memref<2x128xi32, #tpu.memory_space<hbm>>
      %dma_wait3A_197 = arith.constant 0 : i32
      %dma_wait3A_198 = arith.constant 0 : i32
      %dma_wait3A_199 = tpu.memref_slice %arg6[%run_scoped3A, %dma_wait3A_197, %dma_wait3A_198] : memref<2x2x128xi32, #tpu.memory_space<vmem>> -> memref<1x2x128xi32, #tpu.memory_space<vmem>>
      %dma_wait3A_200 = tpu.memref_squeeze %dma_wait3A_199 : memref<1x2x128xi32, #tpu.memory_space<vmem>> -> memref<2x128xi32, #tpu.memory_space<vmem>>
      %dma_wait3A_201 = arith.constant 0 : i32
      %dma_wait3A_202 = tpu.memref_slice %arg2[%add3A_8, %dma_wait3A_201] : memref<25600x128xi32, #tpu.memory_space<hbm>> -> memref<2x128xi32, #tpu.memory_space<hbm>>
      tpu.wait_dma2 semaphore(%run_scoped3A_178 : memref<!tpu.dma_semaphore, #tpu.memory_space<semaphore_mem>>) src(%dma_wait3A_202 : memref<2x128xi32, #tpu.memory_space<hbm>>) dst(%dma_wait3A_200 : memref<2x128xi32, #tpu.memory_space<vmem>>)
      tpu.yield
    }) : () -> ()
    %dma_start3A = arith.constant 0 : i32
    %dma_start3A_9 = arith.constant 0 : i32
    %dma_start3A_10 = arith.constant 0 : i32
    %dma_start3A_11 = arith.constant 0 : i32
    %dma_start3A_12 = arith.constant 0 : i32
    %dma_start3A_13 = tpu.memref_slice %arg7[%dma_start3A_10, %dma_start3A_11, %dma_start3A_12] : memref<2x256x128xf32, #tpu.memory_space<vmem>> -> memref<1x128x128xf32, #tpu.memory_space<vmem>>
    %dma_start3A_14 = tpu.memref_squeeze %dma_start3A_13 : memref<1x128x128xf32, #tpu.memory_space<vmem>> -> memref<128x128xf32, #tpu.memory_space<vmem>>
    %dma_start3A_15 = arith.constant 0 : i32
    %dma_start3A_16 = tpu.memref_slice %arg6[%dma_start3A, %dma_start3A_9, %dma_start3A_15] : memref<2x2x128xi32, #tpu.memory_space<vmem>> -> memref<1x1x128xi32, #tpu.memory_space<vmem>>
    %dma_start3A_17 = tpu.memref_squeeze %dma_start3A_16 : memref<1x1x128xi32, #tpu.memory_space<vmem>> -> memref<128xi32, #tpu.memory_space<vmem>>
    %dma_start3A_18 = arith.constant 0 : i32
    %dma_start3A_19 = arith.constant 0 : i32
    %dma_start3A_20 = tpu.memref_slice %arg5[%dma_start3A_18, %dma_start3A_19] : memref<366x128xf32, #tpu.memory_space<vmem_shared>> -> memref<366x128xf32, #tpu.memory_space<vmem_shared>>
    tpu.enqueue_indirect_dma source(%dma_start3A_20 : memref<366x128xf32, #tpu.memory_space<vmem_shared>>) target(%dma_start3A_14 : memref<128x128xf32, #tpu.memory_space<vmem>>) offsets(%dma_start3A_17 : memref<128xi32, #tpu.memory_space<vmem>>) semaphore(%arg8 : memref<!tpu.dma_semaphore, #tpu.memory_space<semaphore_mem>>)
    %dma_start3A_21 = arith.constant 0 : i32
    %dma_start3A_22 = arith.constant 1 : i32
    %dma_start3A_23 = arith.constant 0 : i32
    %dma_start3A_24 = arith.constant 128 : i32
    %dma_start3A_25 = arith.constant 0 : i32
    %dma_start3A_26 = tpu.memref_slice %arg7[%dma_start3A_23, %dma_start3A_24, %dma_start3A_25] : memref<2x256x128xf32, #tpu.memory_space<vmem>> -> memref<1x128x128xf32, #tpu.memory_space<vmem>>
    %dma_start3A_27 = tpu.memref_squeeze %dma_start3A_26 : memref<1x128x128xf32, #tpu.memory_space<vmem>> -> memref<128x128xf32, #tpu.memory_space<vmem>>
    %dma_start3A_28 = arith.constant 0 : i32
    %dma_start3A_29 = tpu.memref_slice %arg6[%dma_start3A_21, %dma_start3A_22, %dma_start3A_28] : memref<2x2x128xi32, #tpu.memory_space<vmem>> -> memref<1x1x128xi32, #tpu.memory_space<vmem>>
    %dma_start3A_30 = tpu.memref_squeeze %dma_start3A_29 : memref<1x1x128xi32, #tpu.memory_space<vmem>> -> memref<128xi32, #tpu.memory_space<vmem>>
    %dma_start3A_31 = arith.constant 0 : i32
    %dma_start3A_32 = arith.constant 0 : i32
    %dma_start3A_33 = tpu.memref_slice %arg5[%dma_start3A_31, %dma_start3A_32] : memref<366x128xf32, #tpu.memory_space<vmem_shared>> -> memref<366x128xf32, #tpu.memory_space<vmem_shared>>
    tpu.enqueue_indirect_dma source(%dma_start3A_33 : memref<366x128xf32, #tpu.memory_space<vmem_shared>>) target(%dma_start3A_27 : memref<128x128xf32, #tpu.memory_space<vmem>>) offsets(%dma_start3A_30 : memref<128xi32, #tpu.memory_space<vmem>>) semaphore(%arg8 : memref<!tpu.dma_semaphore, #tpu.memory_space<semaphore_mem>>)
    %add3A_34 = arith.constant 2 : i32
    %add3A_35 = arith.addi %mul3A_4, %add3A_34 : i32
    %run_scoped3A_36 = arith.constant 1 : i32
    "tpu.region"() ({
      %run_scoped3A_178 = tpu.sem_alloc : memref<!tpu.dma_semaphore, #tpu.memory_space<semaphore_mem>>
      %dma_start3A_179 = arith.constant 0 : i32
      %dma_start3A_180 = arith.constant 0 : i32
      %dma_start3A_181 = tpu.memref_slice %arg6[%run_scoped3A_36, %dma_start3A_179, %dma_start3A_180] : memref<2x2x128xi32, #tpu.memory_space<vmem>> -> memref<1x2x128xi32, #tpu.memory_space<vmem>>
      %dma_start3A_182 = tpu.memref_squeeze %dma_start3A_181 : memref<1x2x128xi32, #tpu.memory_space<vmem>> -> memref<2x128xi32, #tpu.memory_space<vmem>>
      %dma_start3A_183 = arith.constant 0 : i32
      %dma_start3A_184 = tpu.memref_slice %arg2[%add3A_35, %dma_start3A_183] : memref<25600x128xi32, #tpu.memory_space<hbm>> -> memref<2x128xi32, #tpu.memory_space<hbm>>
      %dma_start3A_185 = arith.constant 0 : i32
      %dma_start3A_186 = arith.constant 0 : i32
      %dma_start3A_187 = tpu.memref_slice %arg6[%run_scoped3A_36, %dma_start3A_185, %dma_start3A_186] : memref<2x2x128xi32, #tpu.memory_space<vmem>> -> memref<1x2x128xi32, #tpu.memory_space<vmem>>
      %dma_start3A_188 = tpu.memref_squeeze %dma_start3A_187 : memref<1x2x128xi32, #tpu.memory_space<vmem>> -> memref<2x128xi32, #tpu.memory_space<vmem>>
      %dma_start3A_189 = arith.constant 0 : i32
      %dma_start3A_190 = tpu.memref_slice %arg2[%add3A_35, %dma_start3A_189] : memref<25600x128xi32, #tpu.memory_space<hbm>> -> memref<2x128xi32, #tpu.memory_space<hbm>>
      tpu.enqueue_dma source(%dma_start3A_190 : memref<2x128xi32, #tpu.memory_space<hbm>>) target(%dma_start3A_188 : memref<2x128xi32, #tpu.memory_space<vmem>>) target_semaphore(%run_scoped3A_178 : memref<!tpu.dma_semaphore, #tpu.memory_space<semaphore_mem>>)
      %dma_wait3A_191 = arith.constant 0 : i32
      %dma_wait3A_192 = arith.constant 0 : i32
      %dma_wait3A_193 = tpu.memref_slice %arg6[%run_scoped3A_36, %dma_wait3A_191, %dma_wait3A_192] : memref<2x2x128xi32, #tpu.memory_space<vmem>> -> memref<1x2x128xi32, #tpu.memory_space<vmem>>
      %dma_wait3A_194 = tpu.memref_squeeze %dma_wait3A_193 : memref<1x2x128xi32, #tpu.memory_space<vmem>> -> memref<2x128xi32, #tpu.memory_space<vmem>>
      %dma_wait3A_195 = arith.constant 0 : i32
      %dma_wait3A_196 = tpu.memref_slice %arg2[%add3A_35, %dma_wait3A_195] : memref<25600x128xi32, #tpu.memory_space<hbm>> -> memref<2x128xi32, #tpu.memory_space<hbm>>
      %dma_wait3A_197 = arith.constant 0 : i32
      %dma_wait3A_198 = arith.constant 0 : i32
      %dma_wait3A_199 = tpu.memref_slice %arg6[%run_scoped3A_36, %dma_wait3A_197, %dma_wait3A_198] : memref<2x2x128xi32, #tpu.memory_space<vmem>> -> memref<1x2x128xi32, #tpu.memory_space<vmem>>
      %dma_wait3A_200 = tpu.memref_squeeze %dma_wait3A_199 : memref<1x2x128xi32, #tpu.memory_space<vmem>> -> memref<2x128xi32, #tpu.memory_space<vmem>>
      %dma_wait3A_201 = arith.constant 0 : i32
      %dma_wait3A_202 = tpu.memref_slice %arg2[%add3A_35, %dma_wait3A_201] : memref<25600x128xi32, #tpu.memory_space<hbm>> -> memref<2x128xi32, #tpu.memory_space<hbm>>
      tpu.wait_dma2 semaphore(%run_scoped3A_178 : memref<!tpu.dma_semaphore, #tpu.memory_space<semaphore_mem>>) src(%dma_wait3A_202 : memref<2x128xi32, #tpu.memory_space<hbm>>) dst(%dma_wait3A_200 : memref<2x128xi32, #tpu.memory_space<vmem>>)
      tpu.yield
    }) : () -> ()
    %dma_start3A_37 = arith.constant 1 : i32
    %dma_start3A_38 = arith.constant 0 : i32
    %dma_start3A_39 = arith.constant 1 : i32
    %dma_start3A_40 = arith.constant 0 : i32
    %dma_start3A_41 = arith.constant 0 : i32
    %dma_start3A_42 = tpu.memref_slice %arg7[%dma_start3A_39, %dma_start3A_40, %dma_start3A_41] : memref<2x256x128xf32, #tpu.memory_space<vmem>> -> memref<1x128x128xf32, #tpu.memory_space<vmem>>
    %dma_start3A_43 = tpu.memref_squeeze %dma_start3A_42 : memref<1x128x128xf32, #tpu.memory_space<vmem>> -> memref<128x128xf32, #tpu.memory_space<vmem>>
    %dma_start3A_44 = arith.constant 0 : i32
    %dma_start3A_45 = tpu.memref_slice %arg6[%dma_start3A_37, %dma_start3A_38, %dma_start3A_44] : memref<2x2x128xi32, #tpu.memory_space<vmem>> -> memref<1x1x128xi32, #tpu.memory_space<vmem>>
    %dma_start3A_46 = tpu.memref_squeeze %dma_start3A_45 : memref<1x1x128xi32, #tpu.memory_space<vmem>> -> memref<128xi32, #tpu.memory_space<vmem>>
    %dma_start3A_47 = arith.constant 0 : i32
    %dma_start3A_48 = arith.constant 0 : i32
    %dma_start3A_49 = tpu.memref_slice %arg5[%dma_start3A_47, %dma_start3A_48] : memref<366x128xf32, #tpu.memory_space<vmem_shared>> -> memref<366x128xf32, #tpu.memory_space<vmem_shared>>
    tpu.enqueue_indirect_dma source(%dma_start3A_49 : memref<366x128xf32, #tpu.memory_space<vmem_shared>>) target(%dma_start3A_43 : memref<128x128xf32, #tpu.memory_space<vmem>>) offsets(%dma_start3A_46 : memref<128xi32, #tpu.memory_space<vmem>>) semaphore(%arg9 : memref<!tpu.dma_semaphore, #tpu.memory_space<semaphore_mem>>)
    %dma_start3A_50 = arith.constant 1 : i32
    %dma_start3A_51 = arith.constant 1 : i32
    %dma_start3A_52 = arith.constant 1 : i32
    %dma_start3A_53 = arith.constant 128 : i32
    %dma_start3A_54 = arith.constant 0 : i32
    %dma_start3A_55 = tpu.memref_slice %arg7[%dma_start3A_52, %dma_start3A_53, %dma_start3A_54] : memref<2x256x128xf32, #tpu.memory_space<vmem>> -> memref<1x128x128xf32, #tpu.memory_space<vmem>>
    %dma_start3A_56 = tpu.memref_squeeze %dma_start3A_55 : memref<1x128x128xf32, #tpu.memory_space<vmem>> -> memref<128x128xf32, #tpu.memory_space<vmem>>
    %dma_start3A_57 = arith.constant 0 : i32
    %dma_start3A_58 = tpu.memref_slice %arg6[%dma_start3A_50, %dma_start3A_51, %dma_start3A_57] : memref<2x2x128xi32, #tpu.memory_space<vmem>> -> memref<1x1x128xi32, #tpu.memory_space<vmem>>
    %dma_start3A_59 = tpu.memref_squeeze %dma_start3A_58 : memref<1x1x128xi32, #tpu.memory_space<vmem>> -> memref<128xi32, #tpu.memory_space<vmem>>
    %dma_start3A_60 = arith.constant 0 : i32
    %dma_start3A_61 = arith.constant 0 : i32
    %dma_start3A_62 = tpu.memref_slice %arg5[%dma_start3A_60, %dma_start3A_61] : memref<366x128xf32, #tpu.memory_space<vmem_shared>> -> memref<366x128xf32, #tpu.memory_space<vmem_shared>>
    tpu.enqueue_indirect_dma source(%dma_start3A_62 : memref<366x128xf32, #tpu.memory_space<vmem_shared>>) target(%dma_start3A_56 : memref<128x128xf32, #tpu.memory_space<vmem>>) offsets(%dma_start3A_59 : memref<128xi32, #tpu.memory_space<vmem>>) semaphore(%arg9 : memref<!tpu.dma_semaphore, #tpu.memory_space<semaphore_mem>>)
    %dma_wait3A = arith.constant 0 : i32
    %dma_wait3A_63 = arith.constant 0 : i32
    %dma_wait3A_64 = arith.constant 0 : i32
    %dma_wait3A_65 = arith.constant 0 : i32
    %dma_wait3A_66 = arith.constant 0 : i32
    %dma_wait3A_67 = tpu.memref_slice %arg7[%dma_wait3A_64, %dma_wait3A_65, %dma_wait3A_66] : memref<2x256x128xf32, #tpu.memory_space<vmem>> -> memref<1x128x128xf32, #tpu.memory_space<vmem>>
    %dma_wait3A_68 = tpu.memref_squeeze %dma_wait3A_67 : memref<1x128x128xf32, #tpu.memory_space<vmem>> -> memref<128x128xf32, #tpu.memory_space<vmem>>
    %dma_wait3A_69 = arith.constant 0 : i32
    %dma_wait3A_70 = tpu.memref_slice %arg6[%dma_wait3A, %dma_wait3A_63, %dma_wait3A_69] : memref<2x2x128xi32, #tpu.memory_space<vmem>> -> memref<1x1x128xi32, #tpu.memory_space<vmem>>
    %dma_wait3A_71 = tpu.memref_squeeze %dma_wait3A_70 : memref<1x1x128xi32, #tpu.memory_space<vmem>> -> memref<128xi32, #tpu.memory_space<vmem>>
    %dma_wait3A_72 = arith.constant 0 : i32
    %dma_wait3A_73 = arith.constant 0 : i32
    %dma_wait3A_74 = tpu.memref_slice %arg5[%dma_wait3A_72, %dma_wait3A_73] : memref<366x128xf32, #tpu.memory_space<vmem_shared>> -> memref<366x128xf32, #tpu.memory_space<vmem_shared>>
    tpu.wait_indirect_dma semaphore(%arg8 : memref<!tpu.dma_semaphore, #tpu.memory_space<semaphore_mem>>) src(%dma_wait3A_74 : memref<366x128xf32, #tpu.memory_space<vmem_shared>>) dst(%dma_wait3A_68 : memref<128x128xf32, #tpu.memory_space<vmem>>)
    %dma_wait3A_75 = arith.constant 0 : i32
    %dma_wait3A_76 = arith.constant 1 : i32
    %dma_wait3A_77 = arith.constant 0 : i32
    %dma_wait3A_78 = arith.constant 128 : i32
    %dma_wait3A_79 = arith.constant 0 : i32
    %dma_wait3A_80 = tpu.memref_slice %arg7[%dma_wait3A_77, %dma_wait3A_78, %dma_wait3A_79] : memref<2x256x128xf32, #tpu.memory_space<vmem>> -> memref<1x128x128xf32, #tpu.memory_space<vmem>>
    %dma_wait3A_81 = tpu.memref_squeeze %dma_wait3A_80 : memref<1x128x128xf32, #tpu.memory_space<vmem>> -> memref<128x128xf32, #tpu.memory_space<vmem>>
    %dma_wait3A_82 = arith.constant 0 : i32
    %dma_wait3A_83 = tpu.memref_slice %arg6[%dma_wait3A_75, %dma_wait3A_76, %dma_wait3A_82] : memref<2x2x128xi32, #tpu.memory_space<vmem>> -> memref<1x1x128xi32, #tpu.memory_space<vmem>>
    %dma_wait3A_84 = tpu.memref_squeeze %dma_wait3A_83 : memref<1x1x128xi32, #tpu.memory_space<vmem>> -> memref<128xi32, #tpu.memory_space<vmem>>
    %dma_wait3A_85 = arith.constant 0 : i32
    %dma_wait3A_86 = arith.constant 0 : i32
    %dma_wait3A_87 = tpu.memref_slice %arg5[%dma_wait3A_85, %dma_wait3A_86] : memref<366x128xf32, #tpu.memory_space<vmem_shared>> -> memref<366x128xf32, #tpu.memory_space<vmem_shared>>
    tpu.wait_indirect_dma semaphore(%arg8 : memref<!tpu.dma_semaphore, #tpu.memory_space<semaphore_mem>>) src(%dma_wait3A_87 : memref<366x128xf32, #tpu.memory_space<vmem_shared>>) dst(%dma_wait3A_81 : memref<128x128xf32, #tpu.memory_space<vmem>>)
    %add3A_88 = arith.constant 0 : i32
    %add3A_89 = arith.addi %mul3A_2, %add3A_88 : i32
    %dma_start3A_90 = arith.constant 0 : i32
    %dma_start3A_91 = arith.constant 0 : i32
    %dma_start3A_92 = arith.constant 0 : i32
    %dma_start3A_93 = tpu.memref_slice %arg7[%dma_start3A_90, %dma_start3A_91, %dma_start3A_92] : memref<2x256x128xf32, #tpu.memory_space<vmem>> -> memref<1x256x128xf32, #tpu.memory_space<vmem>>
    %dma_start3A_94 = tpu.memref_squeeze %dma_start3A_93 : memref<1x256x128xf32, #tpu.memory_space<vmem>> -> memref<256x128xf32, #tpu.memory_space<vmem>>
    %dma_start3A_95 = arith.constant 0 : i32
    %dma_start3A_96 = tpu.memref_slice %arg4[%add3A_89, %dma_start3A_95] : memref<3276800x128xf32, #tpu.memory_space<hbm>> -> memref<256x128xf32, #tpu.memory_space<hbm>>
    %dma_start3A_97 = arith.constant 0 : i32
    %dma_start3A_98 = tpu.memref_slice %arg4[%add3A_89, %dma_start3A_97] : memref<3276800x128xf32, #tpu.memory_space<hbm>> -> memref<256x128xf32, #tpu.memory_space<hbm>>
    %dma_start3A_99 = arith.constant 0 : i32
    %dma_start3A_100 = arith.constant 0 : i32
    %dma_start3A_101 = tpu.memref_slice %arg7[%dma_start3A_90, %dma_start3A_99, %dma_start3A_100] : memref<2x256x128xf32, #tpu.memory_space<vmem>> -> memref<1x256x128xf32, #tpu.memory_space<vmem>>
    %dma_start3A_102 = tpu.memref_squeeze %dma_start3A_101 : memref<1x256x128xf32, #tpu.memory_space<vmem>> -> memref<256x128xf32, #tpu.memory_space<vmem>>
    tpu.enqueue_dma source(%dma_start3A_102 : memref<256x128xf32, #tpu.memory_space<vmem>>) target(%dma_start3A_98 : memref<256x128xf32, #tpu.memory_space<hbm>>) target_semaphore(%arg10 : memref<!tpu.dma_semaphore, #tpu.memory_space<semaphore_mem>>)
    %scan3A = arith.constant 0 : i32
    %scan3A_103 = arith.constant 199 : i32
    %scan3A_104 = arith.addi %scan3A, %scan3A_103 : i32
    %scan3A_105 = arith.constant 1 : i32
    scf.for %scan3A_178 = %scan3A to %scan3A_104 step %scan3A_105  : i32 {
      %mul3A_179 = arith.constant 2 : i32
      %mul3A_180 = arith.muli %scan3A_178, %mul3A_179 : i32
      %add3A_181 = arith.constant 1 : i32
      %add3A_182 = arith.addi %add3A_181, %mul3A_180 : i32
      %add3A_183 = arith.constant 0 : i32
      %add3A_184 = arith.addi %add3A_182, %add3A_183 : i32
      %add3A_185 = arith.constant 1 : i32
      %add3A_186 = arith.addi %add3A_184, %add3A_185 : i32
      %mul3A_187 = arith.constant 2 : i32
      %mul3A_188 = arith.muli %add3A_186, %mul3A_187 : i32
      %add3A_189 = arith.addi %mul3A_4, %mul3A_188 : i32
      %run_scoped3A_190 = arith.constant 0 : i32
      "tpu.region"() ({
        %run_scoped3A_370 = tpu.sem_alloc : memref<!tpu.dma_semaphore, #tpu.memory_space<semaphore_mem>>
        %dma_start3A_371 = arith.constant 0 : i32
        %dma_start3A_372 = arith.constant 0 : i32
        %dma_start3A_373 = tpu.memref_slice %arg6[%run_scoped3A_190, %dma_start3A_371, %dma_start3A_372] : memref<2x2x128xi32, #tpu.memory_space<vmem>> -> memref<1x2x128xi32, #tpu.memory_space<vmem>>
        %dma_start3A_374 = tpu.memref_squeeze %dma_start3A_373 : memref<1x2x128xi32, #tpu.memory_space<vmem>> -> memref<2x128xi32, #tpu.memory_space<vmem>>
        %dma_start3A_375 = arith.constant 0 : i32
        %dma_start3A_376 = tpu.memref_slice %arg2[%add3A_189, %dma_start3A_375] : memref<25600x128xi32, #tpu.memory_space<hbm>> -> memref<2x128xi32, #tpu.memory_space<hbm>>
        %dma_start3A_377 = arith.constant 0 : i32
        %dma_start3A_378 = arith.constant 0 : i32
        %dma_start3A_379 = tpu.memref_slice %arg6[%run_scoped3A_190, %dma_start3A_377, %dma_start3A_378] : memref<2x2x128xi32, #tpu.memory_space<vmem>> -> memref<1x2x128xi32, #tpu.memory_space<vmem>>
        %dma_start3A_380 = tpu.memref_squeeze %dma_start3A_379 : memref<1x2x128xi32, #tpu.memory_space<vmem>> -> memref<2x128xi32, #tpu.memory_space<vmem>>
        %dma_start3A_381 = arith.constant 0 : i32
        %dma_start3A_382 = tpu.memref_slice %arg2[%add3A_189, %dma_start3A_381] : memref<25600x128xi32, #tpu.memory_space<hbm>> -> memref<2x128xi32, #tpu.memory_space<hbm>>
        tpu.enqueue_dma source(%dma_start3A_382 : memref<2x128xi32, #tpu.memory_space<hbm>>) target(%dma_start3A_380 : memref<2x128xi32, #tpu.memory_space<vmem>>) target_semaphore(%run_scoped3A_370 : memref<!tpu.dma_semaphore, #tpu.memory_space<semaphore_mem>>)
        %dma_wait3A_383 = arith.constant 0 : i32
        %dma_wait3A_384 = arith.constant 0 : i32
        %dma_wait3A_385 = tpu.memref_slice %arg6[%run_scoped3A_190, %dma_wait3A_383, %dma_wait3A_384] : memref<2x2x128xi32, #tpu.memory_space<vmem>> -> memref<1x2x128xi32, #tpu.memory_space<vmem>>
        %dma_wait3A_386 = tpu.memref_squeeze %dma_wait3A_385 : memref<1x2x128xi32, #tpu.memory_space<vmem>> -> memref<2x128xi32, #tpu.memory_space<vmem>>
        %dma_wait3A_387 = arith.constant 0 : i32
        %dma_wait3A_388 = tpu.memref_slice %arg2[%add3A_189, %dma_wait3A_387] : memref<25600x128xi32, #tpu.memory_space<hbm>> -> memref<2x128xi32, #tpu.memory_space<hbm>>
        %dma_wait3A_389 = arith.constant 0 : i32
        %dma_wait3A_390 = arith.constant 0 : i32
        %dma_wait3A_391 = tpu.memref_slice %arg6[%run_scoped3A_190, %dma_wait3A_389, %dma_wait3A_390] : memref<2x2x128xi32, #tpu.memory_space<vmem>> -> memref<1x2x128xi32, #tpu.memory_space<vmem>>
        %dma_wait3A_392 = tpu.memref_squeeze %dma_wait3A_391 : memref<1x2x128xi32, #tpu.memory_space<vmem>> -> memref<2x128xi32, #tpu.memory_space<vmem>>
        %dma_wait3A_393 = arith.constant 0 : i32
        %dma_wait3A_394 = tpu.memref_slice %arg2[%add3A_189, %dma_wait3A_393] : memref<25600x128xi32, #tpu.memory_space<hbm>> -> memref<2x128xi32, #tpu.memory_space<hbm>>
        tpu.wait_dma2 semaphore(%run_scoped3A_370 : memref<!tpu.dma_semaphore, #tpu.memory_space<semaphore_mem>>) src(%dma_wait3A_394 : memref<2x128xi32, #tpu.memory_space<hbm>>) dst(%dma_wait3A_392 : memref<2x128xi32, #tpu.memory_space<vmem>>)
        tpu.yield
      }) : () -> ()
      %sub3A = arith.constant 1 : i32
      %sub3A_191 = arith.subi %add3A_184, %sub3A : i32
      %mul3A_192 = arith.constant 256 : i32
      %mul3A_193 = arith.muli %sub3A_191, %mul3A_192 : i32
      %add3A_194 = arith.addi %mul3A_2, %mul3A_193 : i32
      %dma_wait3A_195 = arith.constant 0 : i32
      %dma_wait3A_196 = arith.constant 0 : i32
      %dma_wait3A_197 = arith.constant 0 : i32
      %dma_wait3A_198 = tpu.memref_slice %arg7[%dma_wait3A_195, %dma_wait3A_196, %dma_wait3A_197] : memref<2x256x128xf32, #tpu.memory_space<vmem>> -> memref<1x256x128xf32, #tpu.memory_space<vmem>>
      %dma_wait3A_199 = tpu.memref_squeeze %dma_wait3A_198 : memref<1x256x128xf32, #tpu.memory_space<vmem>> -> memref<256x128xf32, #tpu.memory_space<vmem>>
      %dma_wait3A_200 = arith.constant 0 : i32
      %dma_wait3A_201 = tpu.memref_slice %arg4[%add3A_194, %dma_wait3A_200] : memref<3276800x128xf32, #tpu.memory_space<hbm>> -> memref<256x128xf32, #tpu.memory_space<hbm>>
      %dma_wait3A_202 = arith.constant 0 : i32
      %dma_wait3A_203 = tpu.memref_slice %arg4[%add3A_194, %dma_wait3A_202] : memref<3276800x128xf32, #tpu.memory_space<hbm>> -> memref<256x128xf32, #tpu.memory_space<hbm>>
      %dma_wait3A_204 = arith.constant 0 : i32
      %dma_wait3A_205 = arith.constant 0 : i32
      %dma_wait3A_206 = tpu.memref_slice %arg7[%dma_wait3A_195, %dma_wait3A_204, %dma_wait3A_205] : memref<2x256x128xf32, #tpu.memory_space<vmem>> -> memref<1x256x128xf32, #tpu.memory_space<vmem>>
      %dma_wait3A_207 = tpu.memref_squeeze %dma_wait3A_206 : memref<1x256x128xf32, #tpu.memory_space<vmem>> -> memref<256x128xf32, #tpu.memory_space<vmem>>
      tpu.wait_dma2 semaphore(%arg10 : memref<!tpu.dma_semaphore, #tpu.memory_space<semaphore_mem>>) src(%dma_wait3A_207 : memref<256x128xf32, #tpu.memory_space<vmem>>) dst(%dma_wait3A_203 : memref<256x128xf32, #tpu.memory_space<hbm>>)
      %dma_start3A_208 = arith.constant 0 : i32
      %dma_start3A_209 = arith.constant 0 : i32
      %dma_start3A_210 = arith.constant 0 : i32
      %dma_start3A_211 = arith.constant 0 : i32
      %dma_start3A_212 = arith.constant 0 : i32
      %dma_start3A_213 = tpu.memref_slice %arg7[%dma_start3A_210, %dma_start3A_211, %dma_start3A_212] : memref<2x256x128xf32, #tpu.memory_space<vmem>> -> memref<1x128x128xf32, #tpu.memory_space<vmem>>
      %dma_start3A_214 = tpu.memref_squeeze %dma_start3A_213 : memref<1x128x128xf32, #tpu.memory_space<vmem>> -> memref<128x128xf32, #tpu.memory_space<vmem>>
      %dma_start3A_215 = arith.constant 0 : i32
      %dma_start3A_216 = tpu.memref_slice %arg6[%dma_start3A_208, %dma_start3A_209, %dma_start3A_215] : memref<2x2x128xi32, #tpu.memory_space<vmem>> -> memref<1x1x128xi32, #tpu.memory_space<vmem>>
      %dma_start3A_217 = tpu.memref_squeeze %dma_start3A_216 : memref<1x1x128xi32, #tpu.memory_space<vmem>> -> memref<128xi32, #tpu.memory_space<vmem>>
      %dma_start3A_218 = arith.constant 0 : i32
      %dma_start3A_219 = arith.constant 0 : i32
      %dma_start3A_220 = tpu.memref_slice %arg5[%dma_start3A_218, %dma_start3A_219] : memref<366x128xf32, #tpu.memory_space<vmem_shared>> -> memref<366x128xf32, #tpu.memory_space<vmem_shared>>
      tpu.enqueue_indirect_dma source(%dma_start3A_220 : memref<366x128xf32, #tpu.memory_space<vmem_shared>>) target(%dma_start3A_214 : memref<128x128xf32, #tpu.memory_space<vmem>>) offsets(%dma_start3A_217 : memref<128xi32, #tpu.memory_space<vmem>>) semaphore(%arg8 : memref<!tpu.dma_semaphore, #tpu.memory_space<semaphore_mem>>)
      %dma_start3A_221 = arith.constant 0 : i32
      %dma_start3A_222 = arith.constant 1 : i32
      %dma_start3A_223 = arith.constant 0 : i32
      %dma_start3A_224 = arith.constant 128 : i32
      %dma_start3A_225 = arith.constant 0 : i32
      %dma_start3A_226 = tpu.memref_slice %arg7[%dma_start3A_223, %dma_start3A_224, %dma_start3A_225] : memref<2x256x128xf32, #tpu.memory_space<vmem>> -> memref<1x128x128xf32, #tpu.memory_space<vmem>>
      %dma_start3A_227 = tpu.memref_squeeze %dma_start3A_226 : memref<1x128x128xf32, #tpu.memory_space<vmem>> -> memref<128x128xf32, #tpu.memory_space<vmem>>
      %dma_start3A_228 = arith.constant 0 : i32
      %dma_start3A_229 = tpu.memref_slice %arg6[%dma_start3A_221, %dma_start3A_222, %dma_start3A_228] : memref<2x2x128xi32, #tpu.memory_space<vmem>> -> memref<1x1x128xi32, #tpu.memory_space<vmem>>
      %dma_start3A_230 = tpu.memref_squeeze %dma_start3A_229 : memref<1x1x128xi32, #tpu.memory_space<vmem>> -> memref<128xi32, #tpu.memory_space<vmem>>
      %dma_start3A_231 = arith.constant 0 : i32
      %dma_start3A_232 = arith.constant 0 : i32
      %dma_start3A_233 = tpu.memref_slice %arg5[%dma_start3A_231, %dma_start3A_232] : memref<366x128xf32, #tpu.memory_space<vmem_shared>> -> memref<366x128xf32, #tpu.memory_space<vmem_shared>>
      tpu.enqueue_indirect_dma source(%dma_start3A_233 : memref<366x128xf32, #tpu.memory_space<vmem_shared>>) target(%dma_start3A_227 : memref<128x128xf32, #tpu.memory_space<vmem>>) offsets(%dma_start3A_230 : memref<128xi32, #tpu.memory_space<vmem>>) semaphore(%arg8 : memref<!tpu.dma_semaphore, #tpu.memory_space<semaphore_mem>>)
      %dma_wait3A_234 = arith.constant 1 : i32
      %dma_wait3A_235 = arith.constant 0 : i32
      %dma_wait3A_236 = arith.constant 1 : i32
      %dma_wait3A_237 = arith.constant 0 : i32
      %dma_wait3A_238 = arith.constant 0 : i32
      %dma_wait3A_239 = tpu.memref_slice %arg7[%dma_wait3A_236, %dma_wait3A_237, %dma_wait3A_238] : memref<2x256x128xf32, #tpu.memory_space<vmem>> -> memref<1x128x128xf32, #tpu.memory_space<vmem>>
      %dma_wait3A_240 = tpu.memref_squeeze %dma_wait3A_239 : memref<1x128x128xf32, #tpu.memory_space<vmem>> -> memref<128x128xf32, #tpu.memory_space<vmem>>
      %dma_wait3A_241 = arith.constant 0 : i32
      %dma_wait3A_242 = tpu.memref_slice %arg6[%dma_wait3A_234, %dma_wait3A_235, %dma_wait3A_241] : memref<2x2x128xi32, #tpu.memory_space<vmem>> -> memref<1x1x128xi32, #tpu.memory_space<vmem>>
      %dma_wait3A_243 = tpu.memref_squeeze %dma_wait3A_242 : memref<1x1x128xi32, #tpu.memory_space<vmem>> -> memref<128xi32, #tpu.memory_space<vmem>>
      %dma_wait3A_244 = arith.constant 0 : i32
      %dma_wait3A_245 = arith.constant 0 : i32
      %dma_wait3A_246 = tpu.memref_slice %arg5[%dma_wait3A_244, %dma_wait3A_245] : memref<366x128xf32, #tpu.memory_space<vmem_shared>> -> memref<366x128xf32, #tpu.memory_space<vmem_shared>>
      tpu.wait_indirect_dma semaphore(%arg9 : memref<!tpu.dma_semaphore, #tpu.memory_space<semaphore_mem>>) src(%dma_wait3A_246 : memref<366x128xf32, #tpu.memory_space<vmem_shared>>) dst(%dma_wait3A_240 : memref<128x128xf32, #tpu.memory_space<vmem>>)
      %dma_wait3A_247 = arith.constant 1 : i32
      %dma_wait3A_248 = arith.constant 1 : i32
      %dma_wait3A_249 = arith.constant 1 : i32
      %dma_wait3A_250 = arith.constant 128 : i32
      %dma_wait3A_251 = arith.constant 0 : i32
      %dma_wait3A_252 = tpu.memref_slice %arg7[%dma_wait3A_249, %dma_wait3A_250, %dma_wait3A_251] : memref<2x256x128xf32, #tpu.memory_space<vmem>> -> memref<1x128x128xf32, #tpu.memory_space<vmem>>
      %dma_wait3A_253 = tpu.memref_squeeze %dma_wait3A_252 : memref<1x128x128xf32, #tpu.memory_space<vmem>> -> memref<128x128xf32, #tpu.memory_space<vmem>>
      %dma_wait3A_254 = arith.constant 0 : i32
      %dma_wait3A_255 = tpu.memref_slice %arg6[%dma_wait3A_247, %dma_wait3A_248, %dma_wait3A_254] : memref<2x2x128xi32, #tpu.memory_space<vmem>> -> memref<1x1x128xi32, #tpu.memory_space<vmem>>
      %dma_wait3A_256 = tpu.memref_squeeze %dma_wait3A_255 : memref<1x1x128xi32, #tpu.memory_space<vmem>> -> memref<128xi32, #tpu.memory_space<vmem>>
      %dma_wait3A_257 = arith.constant 0 : i32
      %dma_wait3A_258 = arith.constant 0 : i32
      %dma_wait3A_259 = tpu.memref_slice %arg5[%dma_wait3A_257, %dma_wait3A_258] : memref<366x128xf32, #tpu.memory_space<vmem_shared>> -> memref<366x128xf32, #tpu.memory_space<vmem_shared>>
      tpu.wait_indirect_dma semaphore(%arg9 : memref<!tpu.dma_semaphore, #tpu.memory_space<semaphore_mem>>) src(%dma_wait3A_259 : memref<366x128xf32, #tpu.memory_space<vmem_shared>>) dst(%dma_wait3A_253 : memref<128x128xf32, #tpu.memory_space<vmem>>)
      %mul3A_260 = arith.constant 256 : i32
      %mul3A_261 = arith.muli %add3A_184, %mul3A_260 : i32
      %add3A_262 = arith.addi %mul3A_2, %mul3A_261 : i32
      %dma_start3A_263 = arith.constant 1 : i32
      %dma_start3A_264 = arith.constant 0 : i32
      %dma_start3A_265 = arith.constant 0 : i32
      %dma_start3A_266 = tpu.memref_slice %arg7[%dma_start3A_263, %dma_start3A_264, %dma_start3A_265] : memref<2x256x128xf32, #tpu.memory_space<vmem>> -> memref<1x256x128xf32, #tpu.memory_space<vmem>>
      %dma_start3A_267 = tpu.memref_squeeze %dma_start3A_266 : memref<1x256x128xf32, #tpu.memory_space<vmem>> -> memref<256x128xf32, #tpu.memory_space<vmem>>
      %dma_start3A_268 = arith.constant 0 : i32
      %dma_start3A_269 = tpu.memref_slice %arg4[%add3A_262, %dma_start3A_268] : memref<3276800x128xf32, #tpu.memory_space<hbm>> -> memref<256x128xf32, #tpu.memory_space<hbm>>
      %dma_start3A_270 = arith.constant 0 : i32
      %dma_start3A_271 = tpu.memref_slice %arg4[%add3A_262, %dma_start3A_270] : memref<3276800x128xf32, #tpu.memory_space<hbm>> -> memref<256x128xf32, #tpu.memory_space<hbm>>
      %dma_start3A_272 = arith.constant 0 : i32
      %dma_start3A_273 = arith.constant 0 : i32
      %dma_start3A_274 = tpu.memref_slice %arg7[%dma_start3A_263, %dma_start3A_272, %dma_start3A_273] : memref<2x256x128xf32, #tpu.memory_space<vmem>> -> memref<1x256x128xf32, #tpu.memory_space<vmem>>
      %dma_start3A_275 = tpu.memref_squeeze %dma_start3A_274 : memref<1x256x128xf32, #tpu.memory_space<vmem>> -> memref<256x128xf32, #tpu.memory_space<vmem>>
      tpu.enqueue_dma source(%dma_start3A_275 : memref<256x128xf32, #tpu.memory_space<vmem>>) target(%dma_start3A_271 : memref<256x128xf32, #tpu.memory_space<hbm>>) target_semaphore(%arg11 : memref<!tpu.dma_semaphore, #tpu.memory_space<semaphore_mem>>)
      %add3A_276 = arith.constant 1 : i32
      %add3A_277 = arith.addi %add3A_182, %add3A_276 : i32
      %add3A_278 = arith.constant 1 : i32
      %add3A_279 = arith.addi %add3A_277, %add3A_278 : i32
      %mul3A_280 = arith.constant 2 : i32
      %mul3A_281 = arith.muli %add3A_279, %mul3A_280 : i32
      %add3A_282 = arith.addi %mul3A_4, %mul3A_281 : i32
      %run_scoped3A_283 = arith.constant 1 : i32
      "tpu.region"() ({
        %run_scoped3A_370 = tpu.sem_alloc : memref<!tpu.dma_semaphore, #tpu.memory_space<semaphore_mem>>
        %dma_start3A_371 = arith.constant 0 : i32
        %dma_start3A_372 = arith.constant 0 : i32
        %dma_start3A_373 = tpu.memref_slice %arg6[%run_scoped3A_283, %dma_start3A_371, %dma_start3A_372] : memref<2x2x128xi32, #tpu.memory_space<vmem>> -> memref<1x2x128xi32, #tpu.memory_space<vmem>>
        %dma_start3A_374 = tpu.memref_squeeze %dma_start3A_373 : memref<1x2x128xi32, #tpu.memory_space<vmem>> -> memref<2x128xi32, #tpu.memory_space<vmem>>
        %dma_start3A_375 = arith.constant 0 : i32
        %dma_start3A_376 = tpu.memref_slice %arg2[%add3A_282, %dma_start3A_375] : memref<25600x128xi32, #tpu.memory_space<hbm>> -> memref<2x128xi32, #tpu.memory_space<hbm>>
        %dma_start3A_377 = arith.constant 0 : i32
        %dma_start3A_378 = arith.constant 0 : i32
        %dma_start3A_379 = tpu.memref_slice %arg6[%run_scoped3A_283, %dma_start3A_377, %dma_start3A_378] : memref<2x2x128xi32, #tpu.memory_space<vmem>> -> memref<1x2x128xi32, #tpu.memory_space<vmem>>
        %dma_start3A_380 = tpu.memref_squeeze %dma_start3A_379 : memref<1x2x128xi32, #tpu.memory_space<vmem>> -> memref<2x128xi32, #tpu.memory_space<vmem>>
        %dma_start3A_381 = arith.constant 0 : i32
        %dma_start3A_382 = tpu.memref_slice %arg2[%add3A_282, %dma_start3A_381] : memref<25600x128xi32, #tpu.memory_space<hbm>> -> memref<2x128xi32, #tpu.memory_space<hbm>>
        tpu.enqueue_dma source(%dma_start3A_382 : memref<2x128xi32, #tpu.memory_space<hbm>>) target(%dma_start3A_380 : memref<2x128xi32, #tpu.memory_space<vmem>>) target_semaphore(%run_scoped3A_370 : memref<!tpu.dma_semaphore, #tpu.memory_space<semaphore_mem>>)
        %dma_wait3A_383 = arith.constant 0 : i32
        %dma_wait3A_384 = arith.constant 0 : i32
        %dma_wait3A_385 = tpu.memref_slice %arg6[%run_scoped3A_283, %dma_wait3A_383, %dma_wait3A_384] : memref<2x2x128xi32, #tpu.memory_space<vmem>> -> memref<1x2x128xi32, #tpu.memory_space<vmem>>
        %dma_wait3A_386 = tpu.memref_squeeze %dma_wait3A_385 : memref<1x2x128xi32, #tpu.memory_space<vmem>> -> memref<2x128xi32, #tpu.memory_space<vmem>>
        %dma_wait3A_387 = arith.constant 0 : i32
        %dma_wait3A_388 = tpu.memref_slice %arg2[%add3A_282, %dma_wait3A_387] : memref<25600x128xi32, #tpu.memory_space<hbm>> -> memref<2x128xi32, #tpu.memory_space<hbm>>
        %dma_wait3A_389 = arith.constant 0 : i32
        %dma_wait3A_390 = arith.constant 0 : i32
        %dma_wait3A_391 = tpu.memref_slice %arg6[%run_scoped3A_283, %dma_wait3A_389, %dma_wait3A_390] : memref<2x2x128xi32, #tpu.memory_space<vmem>> -> memref<1x2x128xi32, #tpu.memory_space<vmem>>
        %dma_wait3A_392 = tpu.memref_squeeze %dma_wait3A_391 : memref<1x2x128xi32, #tpu.memory_space<vmem>> -> memref<2x128xi32, #tpu.memory_space<vmem>>
        %dma_wait3A_393 = arith.constant 0 : i32
        %dma_wait3A_394 = tpu.memref_slice %arg2[%add3A_282, %dma_wait3A_393] : memref<25600x128xi32, #tpu.memory_space<hbm>> -> memref<2x128xi32, #tpu.memory_space<hbm>>
        tpu.wait_dma2 semaphore(%run_scoped3A_370 : memref<!tpu.dma_semaphore, #tpu.memory_space<semaphore_mem>>) src(%dma_wait3A_394 : memref<2x128xi32, #tpu.memory_space<hbm>>) dst(%dma_wait3A_392 : memref<2x128xi32, #tpu.memory_space<vmem>>)
        tpu.yield
      }) : () -> ()
      %sub3A_284 = arith.constant 1 : i32
      %sub3A_285 = arith.subi %add3A_277, %sub3A_284 : i32
      %mul3A_286 = arith.constant 256 : i32
      %mul3A_287 = arith.muli %sub3A_285, %mul3A_286 : i32
      %add3A_288 = arith.addi %mul3A_2, %mul3A_287 : i32
      %dma_wait3A_289 = arith.constant 1 : i32
      %dma_wait3A_290 = arith.constant 0 : i32
      %dma_wait3A_291 = arith.constant 0 : i32
      %dma_wait3A_292 = tpu.memref_slice %arg7[%dma_wait3A_289, %dma_wait3A_290, %dma_wait3A_291] : memref<2x256x128xf32, #tpu.memory_space<vmem>> -> memref<1x256x128xf32, #tpu.memory_space<vmem>>
      %dma_wait3A_293 = tpu.memref_squeeze %dma_wait3A_292 : memref<1x256x128xf32, #tpu.memory_space<vmem>> -> memref<256x128xf32, #tpu.memory_space<vmem>>
      %dma_wait3A_294 = arith.constant 0 : i32
      %dma_wait3A_295 = tpu.memref_slice %arg4[%add3A_288, %dma_wait3A_294] : memref<3276800x128xf32, #tpu.memory_space<hbm>> -> memref<256x128xf32, #tpu.memory_space<hbm>>
      %dma_wait3A_296 = arith.constant 0 : i32
      %dma_wait3A_297 = tpu.memref_slice %arg4[%add3A_288, %dma_wait3A_296] : memref<3276800x128xf32, #tpu.memory_space<hbm>> -> memref<256x128xf32, #tpu.memory_space<hbm>>
      %dma_wait3A_298 = arith.constant 0 : i32
      %dma_wait3A_299 = arith.constant 0 : i32
      %dma_wait3A_300 = tpu.memref_slice %arg7[%dma_wait3A_289, %dma_wait3A_298, %dma_wait3A_299] : memref<2x256x128xf32, #tpu.memory_space<vmem>> -> memref<1x256x128xf32, #tpu.memory_space<vmem>>
      %dma_wait3A_301 = tpu.memref_squeeze %dma_wait3A_300 : memref<1x256x128xf32, #tpu.memory_space<vmem>> -> memref<256x128xf32, #tpu.memory_space<vmem>>
      tpu.wait_dma2 semaphore(%arg11 : memref<!tpu.dma_semaphore, #tpu.memory_space<semaphore_mem>>) src(%dma_wait3A_301 : memref<256x128xf32, #tpu.memory_space<vmem>>) dst(%dma_wait3A_297 : memref<256x128xf32, #tpu.memory_space<hbm>>)
      %dma_start3A_302 = arith.constant 1 : i32
      %dma_start3A_303 = arith.constant 0 : i32
      %dma_start3A_304 = arith.constant 1 : i32
      %dma_start3A_305 = arith.constant 0 : i32
      %dma_start3A_306 = arith.constant 0 : i32
      %dma_start3A_307 = tpu.memref_slice %arg7[%dma_start3A_304, %dma_start3A_305, %dma_start3A_306] : memref<2x256x128xf32, #tpu.memory_space<vmem>> -> memref<1x128x128xf32, #tpu.memory_space<vmem>>
      %dma_start3A_308 = tpu.memref_squeeze %dma_start3A_307 : memref<1x128x128xf32, #tpu.memory_space<vmem>> -> memref<128x128xf32, #tpu.memory_space<vmem>>
      %dma_start3A_309 = arith.constant 0 : i32
      %dma_start3A_310 = tpu.memref_slice %arg6[%dma_start3A_302, %dma_start3A_303, %dma_start3A_309] : memref<2x2x128xi32, #tpu.memory_space<vmem>> -> memref<1x1x128xi32, #tpu.memory_space<vmem>>
      %dma_start3A_311 = tpu.memref_squeeze %dma_start3A_310 : memref<1x1x128xi32, #tpu.memory_space<vmem>> -> memref<128xi32, #tpu.memory_space<vmem>>
      %dma_start3A_312 = arith.constant 0 : i32
      %dma_start3A_313 = arith.constant 0 : i32
      %dma_start3A_314 = tpu.memref_slice %arg5[%dma_start3A_312, %dma_start3A_313] : memref<366x128xf32, #tpu.memory_space<vmem_shared>> -> memref<366x128xf32, #tpu.memory_space<vmem_shared>>
      tpu.enqueue_indirect_dma source(%dma_start3A_314 : memref<366x128xf32, #tpu.memory_space<vmem_shared>>) target(%dma_start3A_308 : memref<128x128xf32, #tpu.memory_space<vmem>>) offsets(%dma_start3A_311 : memref<128xi32, #tpu.memory_space<vmem>>) semaphore(%arg9 : memref<!tpu.dma_semaphore, #tpu.memory_space<semaphore_mem>>)
      %dma_start3A_315 = arith.constant 1 : i32
      %dma_start3A_316 = arith.constant 1 : i32
      %dma_start3A_317 = arith.constant 1 : i32
      %dma_start3A_318 = arith.constant 128 : i32
      %dma_start3A_319 = arith.constant 0 : i32
      %dma_start3A_320 = tpu.memref_slice %arg7[%dma_start3A_317, %dma_start3A_318, %dma_start3A_319] : memref<2x256x128xf32, #tpu.memory_space<vmem>> -> memref<1x128x128xf32, #tpu.memory_space<vmem>>
      %dma_start3A_321 = tpu.memref_squeeze %dma_start3A_320 : memref<1x128x128xf32, #tpu.memory_space<vmem>> -> memref<128x128xf32, #tpu.memory_space<vmem>>
      %dma_start3A_322 = arith.constant 0 : i32
      %dma_start3A_323 = tpu.memref_slice %arg6[%dma_start3A_315, %dma_start3A_316, %dma_start3A_322] : memref<2x2x128xi32, #tpu.memory_space<vmem>> -> memref<1x1x128xi32, #tpu.memory_space<vmem>>
      %dma_start3A_324 = tpu.memref_squeeze %dma_start3A_323 : memref<1x1x128xi32, #tpu.memory_space<vmem>> -> memref<128xi32, #tpu.memory_space<vmem>>
      %dma_start3A_325 = arith.constant 0 : i32
      %dma_start3A_326 = arith.constant 0 : i32
      %dma_start3A_327 = tpu.memref_slice %arg5[%dma_start3A_325, %dma_start3A_326] : memref<366x128xf32, #tpu.memory_space<vmem_shared>> -> memref<366x128xf32, #tpu.memory_space<vmem_shared>>
      tpu.enqueue_indirect_dma source(%dma_start3A_327 : memref<366x128xf32, #tpu.memory_space<vmem_shared>>) target(%dma_start3A_321 : memref<128x128xf32, #tpu.memory_space<vmem>>) offsets(%dma_start3A_324 : memref<128xi32, #tpu.memory_space<vmem>>) semaphore(%arg9 : memref<!tpu.dma_semaphore, #tpu.memory_space<semaphore_mem>>)
      %dma_wait3A_328 = arith.constant 0 : i32
      %dma_wait3A_329 = arith.constant 0 : i32
      %dma_wait3A_330 = arith.constant 0 : i32
      %dma_wait3A_331 = arith.constant 0 : i32
      %dma_wait3A_332 = arith.constant 0 : i32
      %dma_wait3A_333 = tpu.memref_slice %arg7[%dma_wait3A_330, %dma_wait3A_331, %dma_wait3A_332] : memref<2x256x128xf32, #tpu.memory_space<vmem>> -> memref<1x128x128xf32, #tpu.memory_space<vmem>>
      %dma_wait3A_334 = tpu.memref_squeeze %dma_wait3A_333 : memref<1x128x128xf32, #tpu.memory_space<vmem>> -> memref<128x128xf32, #tpu.memory_space<vmem>>
      %dma_wait3A_335 = arith.constant 0 : i32
      %dma_wait3A_336 = tpu.memref_slice %arg6[%dma_wait3A_328, %dma_wait3A_329, %dma_wait3A_335] : memref<2x2x128xi32, #tpu.memory_space<vmem>> -> memref<1x1x128xi32, #tpu.memory_space<vmem>>
      %dma_wait3A_337 = tpu.memref_squeeze %dma_wait3A_336 : memref<1x1x128xi32, #tpu.memory_space<vmem>> -> memref<128xi32, #tpu.memory_space<vmem>>
      %dma_wait3A_338 = arith.constant 0 : i32
      %dma_wait3A_339 = arith.constant 0 : i32
      %dma_wait3A_340 = tpu.memref_slice %arg5[%dma_wait3A_338, %dma_wait3A_339] : memref<366x128xf32, #tpu.memory_space<vmem_shared>> -> memref<366x128xf32, #tpu.memory_space<vmem_shared>>
      tpu.wait_indirect_dma semaphore(%arg8 : memref<!tpu.dma_semaphore, #tpu.memory_space<semaphore_mem>>) src(%dma_wait3A_340 : memref<366x128xf32, #tpu.memory_space<vmem_shared>>) dst(%dma_wait3A_334 : memref<128x128xf32, #tpu.memory_space<vmem>>)
      %dma_wait3A_341 = arith.constant 0 : i32
      %dma_wait3A_342 = arith.constant 1 : i32
      %dma_wait3A_343 = arith.constant 0 : i32
      %dma_wait3A_344 = arith.constant 128 : i32
      %dma_wait3A_345 = arith.constant 0 : i32
      %dma_wait3A_346 = tpu.memref_slice %arg7[%dma_wait3A_343, %dma_wait3A_344, %dma_wait3A_345] : memref<2x256x128xf32, #tpu.memory_space<vmem>> -> memref<1x128x128xf32, #tpu.memory_space<vmem>>
      %dma_wait3A_347 = tpu.memref_squeeze %dma_wait3A_346 : memref<1x128x128xf32, #tpu.memory_space<vmem>> -> memref<128x128xf32, #tpu.memory_space<vmem>>
      %dma_wait3A_348 = arith.constant 0 : i32
      %dma_wait3A_349 = tpu.memref_slice %arg6[%dma_wait3A_341, %dma_wait3A_342, %dma_wait3A_348] : memref<2x2x128xi32, #tpu.memory_space<vmem>> -> memref<1x1x128xi32, #tpu.memory_space<vmem>>
      %dma_wait3A_350 = tpu.memref_squeeze %dma_wait3A_349 : memref<1x1x128xi32, #tpu.memory_space<vmem>> -> memref<128xi32, #tpu.memory_space<vmem>>
      %dma_wait3A_351 = arith.constant 0 : i32
      %dma_wait3A_352 = arith.constant 0 : i32
      %dma_wait3A_353 = tpu.memref_slice %arg5[%dma_wait3A_351, %dma_wait3A_352] : memref<366x128xf32, #tpu.memory_space<vmem_shared>> -> memref<366x128xf32, #tpu.memory_space<vmem_shared>>
      tpu.wait_indirect_dma semaphore(%arg8 : memref<!tpu.dma_semaphore, #tpu.memory_space<semaphore_mem>>) src(%dma_wait3A_353 : memref<366x128xf32, #tpu.memory_space<vmem_shared>>) dst(%dma_wait3A_347 : memref<128x128xf32, #tpu.memory_space<vmem>>)
      %mul3A_354 = arith.constant 256 : i32
      %mul3A_355 = arith.muli %add3A_277, %mul3A_354 : i32
      %add3A_356 = arith.addi %mul3A_2, %mul3A_355 : i32
      %dma_start3A_357 = arith.constant 0 : i32
      %dma_start3A_358 = arith.constant 0 : i32
      %dma_start3A_359 = arith.constant 0 : i32
      %dma_start3A_360 = tpu.memref_slice %arg7[%dma_start3A_357, %dma_start3A_358, %dma_start3A_359] : memref<2x256x128xf32, #tpu.memory_space<vmem>> -> memref<1x256x128xf32, #tpu.memory_space<vmem>>
      %dma_start3A_361 = tpu.memref_squeeze %dma_start3A_360 : memref<1x256x128xf32, #tpu.memory_space<vmem>> -> memref<256x128xf32, #tpu.memory_space<vmem>>
      %dma_start3A_362 = arith.constant 0 : i32
      %dma_start3A_363 = tpu.memref_slice %arg4[%add3A_356, %dma_start3A_362] : memref<3276800x128xf32, #tpu.memory_space<hbm>> -> memref<256x128xf32, #tpu.memory_space<hbm>>
      %dma_start3A_364 = arith.constant 0 : i32
      %dma_start3A_365 = tpu.memref_slice %arg4[%add3A_356, %dma_start3A_364] : memref<3276800x128xf32, #tpu.memory_space<hbm>> -> memref<256x128xf32, #tpu.memory_space<hbm>>
      %dma_start3A_366 = arith.constant 0 : i32
      %dma_start3A_367 = arith.constant 0 : i32
      %dma_start3A_368 = tpu.memref_slice %arg7[%dma_start3A_357, %dma_start3A_366, %dma_start3A_367] : memref<2x256x128xf32, #tpu.memory_space<vmem>> -> memref<1x256x128xf32, #tpu.memory_space<vmem>>
      %dma_start3A_369 = tpu.memref_squeeze %dma_start3A_368 : memref<1x256x128xf32, #tpu.memory_space<vmem>> -> memref<256x128xf32, #tpu.memory_space<vmem>>
      tpu.enqueue_dma source(%dma_start3A_369 : memref<256x128xf32, #tpu.memory_space<vmem>>) target(%dma_start3A_365 : memref<256x128xf32, #tpu.memory_space<hbm>>) target_semaphore(%arg10 : memref<!tpu.dma_semaphore, #tpu.memory_space<semaphore_mem>>)
    }
    %scan3A_106 = arith.constant 199 : i32
    %dma_wait3A_107 = arith.constant 1 : i32
    %dma_wait3A_108 = arith.constant 0 : i32
    %dma_wait3A_109 = arith.constant 1 : i32
    %dma_wait3A_110 = arith.constant 0 : i32
    %dma_wait3A_111 = arith.constant 0 : i32
    %dma_wait3A_112 = tpu.memref_slice %arg7[%dma_wait3A_109, %dma_wait3A_110, %dma_wait3A_111] : memref<2x256x128xf32, #tpu.memory_space<vmem>> -> memref<1x128x128xf32, #tpu.memory_space<vmem>>
    %dma_wait3A_113 = tpu.memref_squeeze %dma_wait3A_112 : memref<1x128x128xf32, #tpu.memory_space<vmem>> -> memref<128x128xf32, #tpu.memory_space<vmem>>
    %dma_wait3A_114 = arith.constant 0 : i32
    %dma_wait3A_115 = tpu.memref_slice %arg6[%dma_wait3A_107, %dma_wait3A_108, %dma_wait3A_114] : memref<2x2x128xi32, #tpu.memory_space<vmem>> -> memref<1x1x128xi32, #tpu.memory_space<vmem>>
    %dma_wait3A_116 = tpu.memref_squeeze %dma_wait3A_115 : memref<1x1x128xi32, #tpu.memory_space<vmem>> -> memref<128xi32, #tpu.memory_space<vmem>>
    %dma_wait3A_117 = arith.constant 0 : i32
    %dma_wait3A_118 = arith.constant 0 : i32
    %dma_wait3A_119 = tpu.memref_slice %arg5[%dma_wait3A_117, %dma_wait3A_118] : memref<366x128xf32, #tpu.memory_space<vmem_shared>> -> memref<366x128xf32, #tpu.memory_space<vmem_shared>>
    tpu.wait_indirect_dma semaphore(%arg9 : memref<!tpu.dma_semaphore, #tpu.memory_space<semaphore_mem>>) src(%dma_wait3A_119 : memref<366x128xf32, #tpu.memory_space<vmem_shared>>) dst(%dma_wait3A_113 : memref<128x128xf32, #tpu.memory_space<vmem>>)
    %dma_wait3A_120 = arith.constant 1 : i32
    %dma_wait3A_121 = arith.constant 1 : i32
    %dma_wait3A_122 = arith.constant 1 : i32
    %dma_wait3A_123 = arith.constant 128 : i32
    %dma_wait3A_124 = arith.constant 0 : i32
    %dma_wait3A_125 = tpu.memref_slice %arg7[%dma_wait3A_122, %dma_wait3A_123, %dma_wait3A_124] : memref<2x256x128xf32, #tpu.memory_space<vmem>> -> memref<1x128x128xf32, #tpu.memory_space<vmem>>
    %dma_wait3A_126 = tpu.memref_squeeze %dma_wait3A_125 : memref<1x128x128xf32, #tpu.memory_space<vmem>> -> memref<128x128xf32, #tpu.memory_space<vmem>>
    %dma_wait3A_127 = arith.constant 0 : i32
    %dma_wait3A_128 = tpu.memref_slice %arg6[%dma_wait3A_120, %dma_wait3A_121, %dma_wait3A_127] : memref<2x2x128xi32, #tpu.memory_space<vmem>> -> memref<1x1x128xi32, #tpu.memory_space<vmem>>
    %dma_wait3A_129 = tpu.memref_squeeze %dma_wait3A_128 : memref<1x1x128xi32, #tpu.memory_space<vmem>> -> memref<128xi32, #tpu.memory_space<vmem>>
    %dma_wait3A_130 = arith.constant 0 : i32
    %dma_wait3A_131 = arith.constant 0 : i32
    %dma_wait3A_132 = tpu.memref_slice %arg5[%dma_wait3A_130, %dma_wait3A_131] : memref<366x128xf32, #tpu.memory_space<vmem_shared>> -> memref<366x128xf32, #tpu.memory_space<vmem_shared>>
    tpu.wait_indirect_dma semaphore(%arg9 : memref<!tpu.dma_semaphore, #tpu.memory_space<semaphore_mem>>) src(%dma_wait3A_132 : memref<366x128xf32, #tpu.memory_space<vmem_shared>>) dst(%dma_wait3A_126 : memref<128x128xf32, #tpu.memory_space<vmem>>)
    %add3A_133 = arith.constant 102144 : i32
    %add3A_134 = arith.addi %mul3A_2, %add3A_133 : i32
    %dma_start3A_135 = arith.constant 1 : i32
    %dma_start3A_136 = arith.constant 0 : i32
    %dma_start3A_137 = arith.constant 0 : i32
    %dma_start3A_138 = tpu.memref_slice %arg7[%dma_start3A_135, %dma_start3A_136, %dma_start3A_137] : memref<2x256x128xf32, #tpu.memory_space<vmem>> -> memref<1x256x128xf32, #tpu.memory_space<vmem>>
    %dma_start3A_139 = tpu.memref_squeeze %dma_start3A_138 : memref<1x256x128xf32, #tpu.memory_space<vmem>> -> memref<256x128xf32, #tpu.memory_space<vmem>>
    %dma_start3A_140 = arith.constant 0 : i32
    %dma_start3A_141 = tpu.memref_slice %arg4[%add3A_134, %dma_start3A_140] : memref<3276800x128xf32, #tpu.memory_space<hbm>> -> memref<256x128xf32, #tpu.memory_space<hbm>>
    %dma_start3A_142 = arith.constant 0 : i32
    %dma_start3A_143 = tpu.memref_slice %arg4[%add3A_134, %dma_start3A_142] : memref<3276800x128xf32, #tpu.memory_space<hbm>> -> memref<256x128xf32, #tpu.memory_space<hbm>>
    %dma_start3A_144 = arith.constant 0 : i32
    %dma_start3A_145 = arith.constant 0 : i32
    %dma_start3A_146 = tpu.memref_slice %arg7[%dma_start3A_135, %dma_start3A_144, %dma_start3A_145] : memref<2x256x128xf32, #tpu.memory_space<vmem>> -> memref<1x256x128xf32, #tpu.memory_space<vmem>>
    %dma_start3A_147 = tpu.memref_squeeze %dma_start3A_146 : memref<1x256x128xf32, #tpu.memory_space<vmem>> -> memref<256x128xf32, #tpu.memory_space<vmem>>
    tpu.enqueue_dma source(%dma_start3A_147 : memref<256x128xf32, #tpu.memory_space<vmem>>) target(%dma_start3A_143 : memref<256x128xf32, #tpu.memory_space<hbm>>) target_semaphore(%arg11 : memref<!tpu.dma_semaphore, #tpu.memory_space<semaphore_mem>>)
    %add3A_148 = arith.constant 101888 : i32
    %add3A_149 = arith.addi %mul3A_2, %add3A_148 : i32
    %dma_wait3A_150 = arith.constant 0 : i32
    %dma_wait3A_151 = arith.constant 0 : i32
    %dma_wait3A_152 = arith.constant 0 : i32
    %dma_wait3A_153 = tpu.memref_slice %arg7[%dma_wait3A_150, %dma_wait3A_151, %dma_wait3A_152] : memref<2x256x128xf32, #tpu.memory_space<vmem>> -> memref<1x256x128xf32, #tpu.memory_space<vmem>>
    %dma_wait3A_154 = tpu.memref_squeeze %dma_wait3A_153 : memref<1x256x128xf32, #tpu.memory_space<vmem>> -> memref<256x128xf32, #tpu.memory_space<vmem>>
    %dma_wait3A_155 = arith.constant 0 : i32
    %dma_wait3A_156 = tpu.memref_slice %arg4[%add3A_149, %dma_wait3A_155] : memref<3276800x128xf32, #tpu.memory_space<hbm>> -> memref<256x128xf32, #tpu.memory_space<hbm>>
    %dma_wait3A_157 = arith.constant 0 : i32
    %dma_wait3A_158 = tpu.memref_slice %arg4[%add3A_149, %dma_wait3A_157] : memref<3276800x128xf32, #tpu.memory_space<hbm>> -> memref<256x128xf32, #tpu.memory_space<hbm>>
    %dma_wait3A_159 = arith.constant 0 : i32
    %dma_wait3A_160 = arith.constant 0 : i32
    %dma_wait3A_161 = tpu.memref_slice %arg7[%dma_wait3A_150, %dma_wait3A_159, %dma_wait3A_160] : memref<2x256x128xf32, #tpu.memory_space<vmem>> -> memref<1x256x128xf32, #tpu.memory_space<vmem>>
    %dma_wait3A_162 = tpu.memref_squeeze %dma_wait3A_161 : memref<1x256x128xf32, #tpu.memory_space<vmem>> -> memref<256x128xf32, #tpu.memory_space<vmem>>
    tpu.wait_dma2 semaphore(%arg10 : memref<!tpu.dma_semaphore, #tpu.memory_space<semaphore_mem>>) src(%dma_wait3A_162 : memref<256x128xf32, #tpu.memory_space<vmem>>) dst(%dma_wait3A_158 : memref<256x128xf32, #tpu.memory_space<hbm>>)
    %add3A_163 = arith.constant 102144 : i32
    %add3A_164 = arith.addi %mul3A_2, %add3A_163 : i32
    %dma_wait3A_165 = arith.constant 1 : i32
    %dma_wait3A_166 = arith.constant 0 : i32
    %dma_wait3A_167 = arith.constant 0 : i32
    %dma_wait3A_168 = tpu.memref_slice %arg7[%dma_wait3A_165, %dma_wait3A_166, %dma_wait3A_167] : memref<2x256x128xf32, #tpu.memory_space<vmem>> -> memref<1x256x128xf32, #tpu.memory_space<vmem>>
    %dma_wait3A_169 = tpu.memref_squeeze %dma_wait3A_168 : memref<1x256x128xf32, #tpu.memory_space<vmem>> -> memref<256x128xf32, #tpu.memory_space<vmem>>
    %dma_wait3A_170 = arith.constant 0 : i32
    %dma_wait3A_171 = tpu.memref_slice %arg4[%add3A_164, %dma_wait3A_170] : memref<3276800x128xf32, #tpu.memory_space<hbm>> -> memref<256x128xf32, #tpu.memory_space<hbm>>
    %dma_wait3A_172 = arith.constant 0 : i32
    %dma_wait3A_173 = tpu.memref_slice %arg4[%add3A_164, %dma_wait3A_172] : memref<3276800x128xf32, #tpu.memory_space<hbm>> -> memref<256x128xf32, #tpu.memory_space<hbm>>
    %dma_wait3A_174 = arith.constant 0 : i32
    %dma_wait3A_175 = arith.constant 0 : i32
    %dma_wait3A_176 = tpu.memref_slice %arg7[%dma_wait3A_165, %dma_wait3A_174, %dma_wait3A_175] : memref<2x256x128xf32, #tpu.memory_space<vmem>> -> memref<1x256x128xf32, #tpu.memory_space<vmem>>
    %dma_wait3A_177 = tpu.memref_squeeze %dma_wait3A_176 : memref<1x256x128xf32, #tpu.memory_space<vmem>> -> memref<256x128xf32, #tpu.memory_space<vmem>>
    tpu.wait_dma2 semaphore(%arg11 : memref<!tpu.dma_semaphore, #tpu.memory_space<semaphore_mem>>) src(%dma_wait3A_177 : memref<256x128xf32, #tpu.memory_space<vmem>>) dst(%dma_wait3A_173 : memref<256x128xf32, #tpu.memory_space<hbm>>)
    return
  }
}

</mosaic_0001>

<sc_bundles>
// kernel: kernel.3.cloned.1.call-start
scs
__scs_entry_jumppad:
0x0: {  	(pc) =	sbr.rel $0x88, $3  }
0x1: {  	(tag) =	ssettag $0x0;
	lr =	simm.s32 $0x1  }
0x2: {  	[smem:$0x3F9F] =	sst lr;
	_ =	strace $0xD0000000  }
0x3: {  	_ = 	snop  }
0x4: {  	_ = 	snop  }
0x5: {  	_ = 	snop  }
0x6: {  	_ = 	snop  }
0x7: {  	_ = 	snop  }
__scs_overlays_trampoline_lowered:
0x8: {  	[smem:$0x3FAE] =	sst s0  }
0x9: {  	[smem:$0x3FAF] =	sst s1  }
0xa: {  	[smem:$0x3FB0] =	sst s2  }
0xb: {  	[smem:$0x3FB1] =	sst s3  }
0xc: {  	[smem:$0x3FB2] =	sst s4  }
0xd: {  	[smem:$0x3FB3] =	sst s5  }
0xe: {  	[smem:$0x3FB4] =	sst s6  }
0xf: {  	[smem:$0x3FB5] =	sst s7  }
0x10: {  	[smem:$0x3FB6] =	sst s8  }
0x11: {  	[smem:$0x3FB7] =	sst s9;
	s0 =	simm.s32 @!p0 $0x0  }
0x12: {  	s1 =	sld [smem:$0x3F9D];
	s0 =	simm.s32 @p0 $0x1  }
0x13: {  	[smem:$0x3FB8] =	sst s0;
	s0 =	simm.s32 @!p1 $0x0  }
0x14: {  	s2 =	sld [smem:$0x3F9C];
	s0 =	simm.s32 @p1 $0x1  }
0x15: {  	[smem:$0x3FB9] =	sst s0;
	s0 =	simm.s32 @!p2 $0x0  }
0x16: {  	s3 =	sld [smem:$0x3FDB];
	s0 =	simm.s32 @p2 $0x1  }
0x17: {  	s4 =	simm.s32 $0x1BF5;
	[smem:$0x3FBB] =	sst s0  }
0x18: {  	s0 =	sld [smem:$0x3F9E];
	_ =	swait.ge [sflag:s4], $0x0  }
0x19: {  	s7 =	sld [smem:$0x3F9F]  }
0x1a: {  	s8 =	sadd.s32 $0xFFFFE003, lr  }
0x1b: {  	s9 =	sadd.s32 $0xFFFFFEF7, lr;
	s5 =	simm.s32 $0xFFFFFFFF;
	p2 =	slt.u32 s8, $0xFFFFF086  }
0x1c: {  	p1 =	slt.u32 s9, $0xF7A;
	s5 =	simm.s32 @!p2 $0x0  }
0x1d: {  	s5 =	simm.s32 @p1 $0x1;
	p0 =	seq.s32 s7, s2  }
0x1e: {  	s7 =	smul.u32 @!p0 $0xF7A, s2;
	p2 =	seq.s32 @!p0 s5, $0x0  }
0x1f: {  	s9 =	smul.u32 $0xF7A, s1;
	s8 =	simm.s32 @!p0 $0x1BF5;
	p2 =	por !p2, p0  }
0x20: {  	[sflag:s8] =	ssyncset.s32 @!p0 $0xFFFFF086;
	s6 =	sadd.s32 @!p0 s3, s7;
	s7 =	simm.s32 @!p0 $0x108  }
0x21: {  	s3 =	sadd.s32 s3, s9;
	s6 =	sadd.s32 @!p0 $0x88, s6;
	s7 =	simm.s32 @p2 $0x1082  }
0x22: {  	[simem:s7], [sflag:s8] =	dma.local @!p0 [hbm:s6], $0xF7A  }
0x23: {  	s9 =	sor.u32 $0xD0000000, s2;
	s6 =	simm.s32 $0x108;
	_ =	swait.ge @!p0 [sflag:s8], $0x0  }
0x24: {  	s3 =	sadd.s32 $0x88, s3;
	s6 =	simm.s32 @!p1 $0x1082;
	[sflag:s4] =	ssyncset.s32 $0xFFFFF086  }
0x25: {  	[simem:s6], [sflag:s4] =	dma.local [hbm:s3], $0xF7A  }
0x26: {  	[smem:$0x3F9F] =	sst s1;
	(tag) =	ssettag s2;
	_ =	strace s9  }
0x27: {  	s1 =	sld [smem:$0x3FAF]  }
0x28: {  	s2 =	sld [smem:$0x3FB0]  }
0x29: {  	s4 =	sld [smem:$0x3FB2]  }
0x2a: {  	p0 =	seq.s32 s5, $0x0;
	s5 =	sld [smem:$0x3FB3]  }
0x2b: {  	s6 =	sld [smem:$0x3FB4]  }
0x2c: {  	s7 =	sld [smem:$0x3FB5]  }
0x2d: {  	s3 =	simm.s32 $0x108;
	s8 =	sld [smem:$0x3FB6]  }
0x2e: {  	s3 =	simm.s32 @!p0 $0x1082;
	s9 =	sld [smem:$0x3FB7]  }
0x2f: {  	lr =	sadd.s32 s0, s3;
	s0 =	sld [smem:$0x3FAE]  }
0x30: {  	s3 =	sld [smem:$0x3FB1]  }
0x31: {  	[smem:$0x3FBA] =	sst s10  }
0x32: {  	s10 =	sld [smem:$0x3FB8];
	_ =	sdelay $0x3  }
0x33: {  	p0 =	seq.s32 s10, $0x1;
	s10 =	sld [smem:$0x3FBA];
	_ =	sdelay $0x3  }
0x34: {  	[smem:$0x3FBA] =	sst s10  }
0x35: {  	s10 =	sld [smem:$0x3FB9];
	_ =	sdelay $0x3  }
0x36: {  	p1 =	seq.s32 s10, $0x1;
	s10 =	sld [smem:$0x3FBA];
	_ =	sdelay $0x3  }
0x37: {  	[smem:$0x3FBA] =	sst s10  }
0x38: {  	s10 =	sld [smem:$0x3FBB]  }
0x39: {  	_ = 	snop;
	(pc) =	sbr.ind lr, $3  }
0x3a: {  	_ = 	snop  }
0x3b: {  	_ = 	snop  }
0x3c: {  	p2 =	seq.s32 s10, $0x1;
	s10 =	sld [smem:$0x3FBA]  }
0x3d: {  	_ =	shalt  }
0x3e: {  	_ =	shalt  }
0x3f: {  	_ =	shalt  }
0x40: {  	_ =	shalt  }
0x41: {  	_ =	shalt  }
0x42: {  	_ =	shalt  }
0x43: {  	_ =	shalt  }
0x44: {  	_ =	shalt  }
0x45: {  	_ =	shalt  }
0x46: {  	_ =	shalt  }
0x47: {  	_ =	shalt  }
0x48: {  	_ =	shalt  }
0x49: {  	_ =	shalt  }
0x4a: {  	_ =	shalt  }
0x4b: {  	_ =	shalt  }
0x4c: {  	_ =	shalt  }
0x4d: {  	_ =	shalt  }
0x4e: {  	_ =	shalt  }
0x4f: {  	_ =	shalt  }
0x50: {  	_ =	shalt  }
0x51: {  	_ =	shalt  }
0x52: {  	_ =	shalt  }
0x53: {  	_ =	shalt  }
0x54: {  	_ =	shalt  }
0x55: {  	_ =	shalt  }
0x56: {  	_ =	shalt  }
0x57: {  	_ =	shalt  }
0x58: {  	_ =	shalt  }
0x59: {  	_ =	shalt  }
0x5a: {  	_ =	shalt  }
0x5b: {  	_ =	shalt  }
0x5c: {  	_ =	shalt  }
0x5d: {  	_ =	shalt  }
0x5e: {  	_ =	shalt  }
0x5f: {  	_ =	shalt  }
0x60: {  	_ =	shalt  }
0x61: {  	_ =	shalt  }
0x62: {  	_ =	shalt  }
0x63: {  	_ =	shalt  }
0x64: {  	_ =	shalt  }
0x65: {  	_ =	shalt  }
0x66: {  	_ =	shalt  }
0x67: {  	_ =	shalt  }
0x68: {  	_ =	shalt  }
0x69: {  	_ =	shalt  }
0x6a: {  	_ =	shalt  }
0x6b: {  	_ =	shalt  }
0x6c: {  	_ =	shalt  }
0x6d: {  	_ =	shalt  }
0x6e: {  	_ =	shalt  }
0x6f: {  	_ =	shalt  }
0x70: {  	_ =	shalt  }
0x71: {  	_ =	shalt  }
0x72: {  	_ =	shalt  }
0x73: {  	_ =	shalt  }
0x74: {  	_ =	shalt  }
0x75: {  	_ =	shalt  }
0x76: {  	_ =	shalt  }
0x77: {  	_ =	shalt  }
0x78: {  	_ =	shalt  }
0x79: {  	_ =	shalt  }
0x7a: {  	_ =	shalt  }
0x7b: {  	_ =	shalt  }
0x7c: {  	_ =	shalt  }
0x7d: {  	_ =	shalt  }
0x7e: {  	_ =	shalt  }
0x7f: {  	_ =	shalt  }
0x80: {  	_ =	shalt  }
0x81: {  	_ =	shalt  }
0x82: {  	_ =	shalt  }
0x83: {  	_ =	shalt  }
0x84: {  	_ =	shalt  }
0x85: {  	_ =	shalt  }
0x86: {  	_ =	shalt  }
0x87: {  	_ =	shalt  }
.Lfunc_end0:
.L_simem_size_0:
called_computation_lowered:
.L_overlay_start_0:
0x88: {  	s2 =	sld [smem:$0x3FD9]  }
0x89: {  	s3 =	sld [smem:$0x3FFE];
	_ =	sdelay $0x1  }
0x8a: {  	s1 =	srdreg.scid  }
0x8b: {  	s0 =	sand.u32 $0x1, s1  }
0x8c: {  	s17 =	sshll.u32 s0, $0xA;
	s2 =	sadd.s32 s3, s2  }
0x8d: {  	s2 =	sadd.s32 s2, s17  }
0x8e: {  	[smem:$0x3FC6] =	sst s2  }
0x8f: {  	_ = 	snop  }
0x90: {  	s2 =	sld [smem:$0x3FC8]  }
0x91: {  	s18 =	sld [smem:$0x3FD0];
	(tm) =	ssettm $0x1  }
0x92: {  	s4 =	sld [smem:$0x3FFB];
	_ =	sdelay $0x3  }
0x93: {  	_ =	strace s4  }
0x94: {  	s4 =	sld [smem:$0x3FFC];
	_ =	sdelay $0x3  }
0x95: {  	_ =	strace s4  }
0x96: {  	s4 =	sld [smem:$0x3FFD];
	_ =	sdelay $0x3  }
0x97: {  	_ =	strace s4  }
0x98: {  	_ =	strace $0x8FFFFFFF  }
0x99: {  	s19 =	sld [smem:$0x3FDB];
	_ =	sdelay $0x1  }
0x9a: {  	s5 =	simm.s32 $_scs_section_size  }
0x9b: {  	s6 =	simm.s32 $_size__tile_overlayer_lowered;
	s7 =	simm.s32 $_tile_overlayer_lowered  }
0x9c: {  	s22 =	simm.s32 $0x1BFF;
	s21 =	sshll.u32 s7, $0x1;
	s4 =	sadd.s32 s5, s19  }
0x9d: {  	s8 =	simm.s32 $0x0;
	s20 =	sshll.u32 s6, $0x1;
	s6 =	sadd.s32 s21, s4  }
0x9e: {  	[timem:s8], [sflag:s22] =	dma.local [hbm:s6], s20  }
0x9f: {  	_ =	swait.ge [sflag:s22], s20  }
0xa0: {  	s5 =	ssub.s32 $0x0, s20;
	[sflag:s22] =	ssyncset.done $0x0  }
0xa1: {  	[sflag:s22] =	ssyncadd.s32 s5;
	_ =	sdelay $0x1  }
0xa2: {  	s23 =	simm.s32 $0x1B8B  }
0xa3: {  	_ =	swait.ge [sflag:s23], $0x1  }
0xa4: {  	[sflag:s23] =	ssyncset.done $0x0  }
0xa5: {  	s25 =	simm.s32 $0x1B8E;
	s24 =	sld [smem:$0x3FFE];
	[sflag:s23] =	ssyncadd.s32 $0xFFFFFFFF  }
0xa6: {  	s26 =	simm.s32 $execute0_lowered;
	[smem:$0x3FD2] =	sst s25  }
0xa7: {  	s6 =	sshll.u32 s26, $0x1;
	_ =	strace $0x80000046;
	[dreg:$0x1] =	wrdreg $0xFFFFFFFF  }
0xa8: {  	s28 =	simm.s32 $_size_execute0_lowered;
	s4 =	sadd.s32 s4, s6;
	[dreg:$0x0] =	wrdreg $0x0  }
0xa9: {  	s6 =	sshll.u32 s28, $0x1;
	[dreg:$0x2] =	wrdreg s4  }
0xaa: {  	[dreg:$0x3] =	wrdreg s6  }
0xab: {  	[dreg:$0x4] =	wrdreg $0xC0  }
0xac: {  	_ =	task [dreg:s8], $0x5FFFF  }
0xad: {  	[dreg:$0x1] =	wrdreg $0xFFFFFFFF  }
0xae: {  	[dreg:$0x0] =	wrdreg $0x60  }
0xaf: {  	[dreg:$0x2] =	wrdreg s24  }
0xb0: {  	[dreg:$0x3] =	wrdreg s2  }
0xb1: {  	[dreg:$0x4] =	wrdreg s18  }
0xb2: {  	[dreg:$0x5] =	wrdreg $0x0  }
0xb3: {  	[dreg:$0x6] =	wrdreg $0x9  }
0xb4: {  	_ =	task.clear_ibuf [dreg:s8], $0x7FFFF;
	_ =	strace $0x90000046  }
0xb5: {  	s29 =	simm.s32 $0x9;
	_ =	strace $0x80000048  }
0xb6: {  	_ =	swait.ge [sflag:s29], $0x1  }
0xb7: {  	[sflag:s29] =	ssyncadd.s32 $0xFFFFFFFF  }
0xb8: {  	_ =	strace $0x90000048  }
0xb9: {  	_ =	sfence  }
0xba: {  	s30 =	sld [smem:$0x0];
	_ =	sdelay $0x2  }
0xbb: {  	s31 =	sshll.u32 s1, $0xD;
	s1 =	sshrl.u32 s1, $0x2  }
0xbc: {  	s3 =	sand.u32 $0x4000, s31;
	s1 =	sadd.s32 s1, s30  }
0xbd: {  	s0 =	sor.u32 s3, s0;
	s1 =	sshll.u32 s1, $0x11  }
0xbe: {  	s0 =	sor.u32 s1, s0  }
0xbf: {  	s0 =	sadd.s32 $0x8F2B, s0  }
0xc0: {  	[sflag:s0] =	ssyncadd.remote.s32 $0x1  }
0xc1: {  	_ =	sfence.sel $0xFFFF  }
0xc2: {  	[dreg:$0x0] =	wrdreg $0xFFFFFFFF;
	(pc) =	sbr.abs _section_cstart, $3  }
0xc3: {  	[dreg:$0x1] =	wrdreg $0xFFFFFFFF  }
0xc4: {  	_ =	task.clear_ibuf [dreg:s8], $0x2FFFF;
	_ =	strace $0x9FFFFFFF  }
0xc5: {  	(tm) =	ssettm $0x7FFFFFFF  }
tec
execute0_lowered:
.L_overlay_start_1:
0x0: {  	(tag) =	ssettag $0x1  }
0x1: {  	s6 =	stileid.u32  }
0x2: {  	s11 =	smul.u32 $0x320000, s6  }
0x3: {  	s13 =	smul.u32 $0x6400, s6  }
0x4: {  	s1 =	srdreg.scid;
	s15 =	smul.u32 $0x1900000, s6  }
0x5: {  	s0 =	rddreg [dreg:$0x0];
	s1 =	sand.u32 $0x1, s1;
	s25 =	smul.u32 $0x32000, s6  }
0x6: {  	s10 =	rddreg [dreg:$0x2];
	s3 =	simm.s32 $0x0;
	s12 =	smul.u32 $0x190000, s1  }
0x7: {  	s17 =	simm.s32 $0xBF0;
	s18 =	simm.s32 $0x4D70;
	s14 =	smul.u32 $0x3200, s1  }
0x8: {  	s19 =	simm.s32 $0xC70;
	s2 =	sshll.u32 s6, $0x1;
	s16 =	smul.u32 $0xC80000, s1  }
0x9: {  	s20 =	simm.s32 $0x8D70;
	s4 =	sor.u32 s1, s2;
	s30 =	smul.u32 $0x19000, s1  }
0xa: {  	s28 =	simm.s32 $0x0;
	[smem:$0x7FF] =	sst s3;
	s5 =	smul.u32 $0x3200, s4  }
0xb: {  	p0 =	sne.s32 s6, $0x0;
	s2 =	rddreg [dreg:$0x3];
	s7 =	smul.u32 $0x190000, s4  }
0xc: {  	_ =	strace $0x80000047;
	s9 =	ssub.s32 $0x2, s1;
	s8 =	smul.u32 $0xC80000, s4  }
0xd: {  	s4 =	sadd.s32 $0x400, s0;
	s21 =	sshrl.u32 s9, $0x1;
	s11 =	sadd.s32 s11, s10  }
0xe: {  	s0 =	ssub.s32 s9, s21;
	s24 =	sadd.s32 s12, s11;
	s26 =	sadd.s32 s14, s13  }
0xf: {  	s29 =	sadd.s32 s16, s15;
	s11 =	sadd.s32 s30, s25;
	s12 =	sshrl.u32 @!p0 s2, $0x3  }
0x10: {  	s13 =	simm.s32 $0xB70;
	s14 =	simm.s32 $0x5;
	s15 =	simm.s32 $0x80  }
0x11: {  	s16 =	simm.s32 $0xD70;
	s21 =	simm.s32 $0xCF0;
	s25 =	simm.s32 $0x2  }
0x12: {  	s5 =	sadd.s32 s4, s5;
	s8 =	sshrl.u32 s8, $0x3;
	s22 =	sadd.s32 s10, s7  }
0x13: {  	s9 =	smax.u32 s0, $0x1;
	s1 =	sadd.s32 $0x1000, s24;
	[dreg:$0x5] =	wrdreg s26  }
0x14: {  	s31 =	sor.u32 $0x10000, s29;
	[dreg:$0x6] =	wrdreg s11;
	s24 =	simm.s32 $0x3  }
0x15: {  	s26 =	simm.s32 $0x4;
	[dreg:$0x7] =	wrdreg s5;
	s5 =	sadd.s32 $0x20, s5  }
0x16: {  	[dreg:$0x9] =	wrdreg s22;
	s8 =	sadd.s32 s10, s8;
	s0 =	sshrl.u32 s31, $0x3  }
0x17: {  	s22 =	simm.s32 $0xCD70;
	[dreg:$0x8] =	wrdreg s5;
	s23 =	sadd.s32 $0x18F000, s8  }
0x18: {  	s6 =	sadd.s32 s0, s10;
	[dreg:$0xa] =	wrdreg s23;
	s23 =	simm.s32 $0x1  }
.LBB2_1:
0x19: {  	s0 =	simm.s32 @!p0 $0x1C05;
	s5 =	rddreg [dreg:$0x1]  }
0x1a: {  	[spmem:s12], [sflag:s0] =	dma.local @!p0 [hbm:s5], $0x16E0  }
0x1b: {  	s0 =	simm.s32 @!p0 $0x5  }
0x1c: {  	_ =	swait.ge @!p0 [sflag:s0], $0x16E0  }
0x1d: {  	[sflag:s0] =	ssyncset.done @!p0 $0x0  }
0x1e: {  	[sflag:s0] =	ssyncadd.s32 @!p0 $0xFFFFE920  }
0x1f: {  	[bflag:$0x0] =	sbarrier.arrive $0xFFFF  }
0x20: {  	s11 =	rddreg [dreg:$0x7]  }
0x21: {  	[tilespmem:s13], [sflag:$0x5] =	stream.linear.gather [hbm4b:s11+s3], $0x100, $0x38;
	[tilespmem:$0x10D70] =	vst v63  }
0x22: {  	_ =	swait.ge [sflag:s14], $0x100  }
0x23: {  	[sflag:s14] =	ssyncset.done $0x0  }
0x24: {  	[sflag:s14] =	ssyncadd.s32 $0xFFFFFF00  }
0x25: {  	[tilespmem:s16], [sflag:$0x1] =	stream.indirect.gather [spmem:s2], $0x80, s13, s15, $0xb8;
	[tilespmem:$0x10D70] =	vst v63  }
0x26: {  	_ = 	snop  }
0x27: {  	[tilespmem:s18], [sflag:$0x1] =	stream.indirect.gather [spmem:s2], $0x80, s17, s15, $0xb8;
	[tilespmem:$0x10D70] =	vst v63  }
0x28: {  	s5 =	rddreg [dreg:$0x8]  }
0x29: {  	[tilespmem:s19], [sflag:$0x5] =	stream.linear.gather [hbm4b:s5+s3], $0x100, $0x38;
	[tilespmem:$0x10D70] =	vst v63  }
0x2a: {  	_ =	swait.ge [sflag:s14], $0x100  }
0x2b: {  	[sflag:s14] =	ssyncset.done $0x0  }
0x2c: {  	[sflag:s14] =	ssyncadd.s32 $0xFFFFFF00  }
0x2d: {  	[tilespmem:s20], [sflag:$0x2] =	stream.indirect.gather [spmem:s2], $0x80, s19, s15, $0xb8;
	[tilespmem:$0x10D70] =	vst v63  }
0x2e: {  	_ = 	snop  }
0x2f: {  	[tilespmem:s22], [sflag:$0x2] =	stream.indirect.gather [spmem:s2], $0x80, s21, s15, $0xb8;
	[tilespmem:$0x10D70] =	vst v63  }
0x30: {  	_ =	swait.ge [sflag:s23], $0x4000  }
0x31: {  	[sflag:s23] =	ssyncset.done $0x0  }
0x32: {  	[sflag:s23] =	ssyncadd.s32 $0xFFFFC000  }
0x33: {  	_ =	swait.ge [sflag:s23], $0x4000  }
0x34: {  	s30 =	simm.s32 $0x200;
	[sflag:s23] =	ssyncset.done $0x0;
	s7 =	rddreg [dreg:$0x6]  }
0x35: {  	s8 =	rddreg [dreg:$0x9];
	[sflag:s23] =	ssyncadd.s32 $0xFFFFC000;
	s0 =	sadd.s32 $0x200, s7  }
0x36: {  	[hbm4b:s8+s3] =	stream.linear.scatter [tilespmem:s16], [sflag:$0x3], $0x8000, $0x38;
	[tilespmem:$0x10D70] =	vst v63  }
0x37: {  	s10 =	sand.u32 $0x200, s30;
	s0 =	sand.u32 $0x7FFC00, s0  }
0x38: {  	s0 =	sor.u32 s10, s0  }
0x39: {  	s0 =	sshrl.u32 s0, $0x3  }
0x3a: {  	s0 =	sadd.s32 s4, s0  }
0x3b: {  	[tilespmem:s13], [sflag:$0x5] =	stream.linear.gather [hbm4b:s0+s3], $0x100, $0x38;
	[tilespmem:$0x10D70] =	vst v63  }
0x3c: {  	_ =	swait.ge [sflag:s14], $0x100  }
0x3d: {  	[sflag:s14] =	ssyncset.done $0x0  }
0x3e: {  	[sflag:s14] =	ssyncadd.s32 $0xFFFFFF00  }
0x3f: {  	_ =	swait.ge [sflag:s24], $0x8000  }
0x40: {  	[sflag:s24] =	ssyncset.done $0x0  }
0x41: {  	[sflag:s24] =	ssyncadd.s32 $0xFFFF8000  }
0x42: {  	[tilespmem:s16], [sflag:$0x1] =	stream.indirect.gather [spmem:s2], $0x80, s13, s15, $0xb8;
	[tilespmem:$0x10D70] =	vst v63  }
0x43: {  	_ = 	snop  }
0x44: {  	[tilespmem:s18], [sflag:$0x1] =	stream.indirect.gather [spmem:s2], $0x80, s17, s15, $0xb8;
	[tilespmem:$0x10D70] =	vst v63  }
0x45: {  	_ =	swait.ge [sflag:s25], $0x4000  }
0x46: {  	[sflag:s25] =	ssyncset.done $0x0  }
0x47: {  	[sflag:s25] =	ssyncadd.s32 $0xFFFFC000  }
0x48: {  	_ =	swait.ge [sflag:s25], $0x4000  }
0x49: {  	s11 =	simm.s32 $0x60;
	[sflag:s25] =	ssyncset.done $0x0;
	s10 =	rddreg [dreg:$0x5]  }
0x4a: {  	[sflag:s25] =	ssyncadd.s32 $0xFFFFC000;
	s0 =	sadd.s32 $0x60, s10;
	s10 =	sand.u32 $0x60, s11  }
0x4b: {  	[hbm4b:s1+s3] =	stream.linear.scatter [tilespmem:s20], [sflag:$0x4], $0x8000, $0x38;
	[tilespmem:$0x10D70] =	vst v63  }
0x4c: {  	s0 =	sand.u32 $0xFFFFF80, s0;
	s10 =	sadd.s32 s4, s10  }
0x4d: {  	s0 =	sadd.s32 s0, s10  }
0x4e: {  	[tilespmem:s19], [sflag:$0x5] =	stream.linear.gather [hbm4b:s0+s3], $0x100, $0x38;
	[tilespmem:$0x10D70] =	vst v63  }
0x4f: {  	_ =	swait.ge [sflag:s14], $0x100  }
0x50: {  	[sflag:s14] =	ssyncset.done $0x0  }
0x51: {  	[sflag:s14] =	ssyncadd.s32 $0xFFFFFF00  }
0x52: {  	_ =	swait.ge [sflag:s26], $0x8000  }
0x53: {  	[sflag:s26] =	ssyncset.done $0x0  }
0x54: {  	[sflag:s26] =	ssyncadd.s32 $0xFFFF8000  }
0x55: {  	[tilespmem:s20], [sflag:$0x2] =	stream.indirect.gather [spmem:s2], $0x80, s19, s15, $0xb8;
	[tilespmem:$0x10D70] =	vst v63  }
0x56: {  	_ = 	snop  }
0x57: {  	[tilespmem:s22], [sflag:$0x2] =	stream.indirect.gather [spmem:s2], $0x80, s21, s15, $0xb8;
	[tilespmem:$0x10D70] =	vst v63  }
0x58: {  	_ =	swait.ge [sflag:s23], $0x4000  }
0x59: {  	s31 =	simm.s32 $0xA0;
	[sflag:s23] =	ssyncset.done $0x0  }
0x5a: {  	s29 =	smov.u32 s6;
	s11 =	smov.u32 s6;
	[sflag:s23] =	ssyncadd.s32 $0xFFFFC000  }
0x5b: {  	s10 =	smov.u32 s1;
	s0 =	simm.s32 $0xE0;
	_ =	swait.ge [sflag:s23], $0x4000  }
.LBB2_2:
0x5c: {  	s30 =	sadd.s32 $0x200, s30;
	s7 =	rddreg [dreg:$0x6];
	[sflag:s23] =	ssyncset.done $0x0  }
0x5d: {  	[sflag:s23] =	ssyncadd.s32 $0xFFFFC000;
	s7 =	sadd.s32 s30, s7  }
0x5e: {  	[hbm4b:s11+s3] =	stream.linear.scatter [tilespmem:s16], [sflag:$0x3], $0x8000, $0x38;
	[tilespmem:$0x10D70] =	vst v63  }
0x5f: {  	s5 =	sand.u32 $0x200, s30;
	s7 =	sand.u32 $0x7FFC00, s7  }
0x60: {  	s5 =	sor.u32 s5, s7  }
0x61: {  	s5 =	sshrl.u32 s5, $0x3  }
0x62: {  	s5 =	sadd.s32 s4, s5  }
0x63: {  	[tilespmem:s13], [sflag:$0x5] =	stream.linear.gather [hbm4b:s5+s3], $0x100, $0x38;
	[tilespmem:$0x10D70] =	vst v63  }
0x64: {  	_ =	swait.ge [sflag:s14], $0x100  }
0x65: {  	[sflag:s14] =	ssyncset.done $0x0  }
0x66: {  	[sflag:s14] =	ssyncadd.s32 $0xFFFFFF00  }
0x67: {  	_ =	swait.ge [sflag:s24], $0x8000  }
0x68: {  	[sflag:s24] =	ssyncset.done $0x0  }
0x69: {  	[sflag:s24] =	ssyncadd.s32 $0xFFFF8000  }
0x6a: {  	[tilespmem:s16], [sflag:$0x1] =	stream.indirect.gather [spmem:s2], $0x80, s13, s15, $0xb8;
	[tilespmem:$0x10D70] =	vst v63  }
0x6b: {  	_ = 	snop  }
0x6c: {  	[tilespmem:s18], [sflag:$0x1] =	stream.indirect.gather [spmem:s2], $0x80, s17, s15, $0xb8;
	[tilespmem:$0x10D70] =	vst v63  }
0x6d: {  	_ =	swait.ge [sflag:s25], $0x4000  }
0x6e: {  	[sflag:s25] =	ssyncset.done $0x0  }
0x6f: {  	[sflag:s25] =	ssyncadd.s32 $0xFFFFC000  }
0x70: {  	_ =	swait.ge [sflag:s25], $0x4000  }
0x71: {  	s10 =	sadd.s32 $0x2000, s10;
	[sflag:s25] =	ssyncset.done $0x0;
	s7 =	rddreg [dreg:$0x5]  }
0x72: {  	[sflag:s25] =	ssyncadd.s32 $0xFFFFC000;
	s5 =	sadd.s32 s31, s7;
	s7 =	sand.u32 $0x60, s31  }
0x73: {  	[hbm4b:s10+s3] =	stream.linear.scatter [tilespmem:s20], [sflag:$0x4], $0x8000, $0x38;
	[tilespmem:$0x10D70] =	vst v63  }
0x74: {  	s5 =	sand.u32 $0xFFFFF80, s5;
	s7 =	sadd.s32 s4, s7  }
0x75: {  	s5 =	sadd.s32 s5, s7  }
0x76: {  	[tilespmem:s19], [sflag:$0x5] =	stream.linear.gather [hbm4b:s5+s3], $0x100, $0x38;
	[tilespmem:$0x10D70] =	vst v63  }
0x77: {  	_ =	swait.ge [sflag:s14], $0x100  }
0x78: {  	[sflag:s14] =	ssyncset.done $0x0  }
0x79: {  	[sflag:s14] =	ssyncadd.s32 $0xFFFFFF00  }
0x7a: {  	_ =	swait.ge [sflag:s26], $0x8000  }
0x7b: {  	[sflag:s26] =	ssyncset.done $0x0  }
0x7c: {  	[sflag:s26] =	ssyncadd.s32 $0xFFFF8000  }
0x7d: {  	[tilespmem:s20], [sflag:$0x2] =	stream.indirect.gather [spmem:s2], $0x80, s19, s15, $0xb8;
	[tilespmem:$0x10D70] =	vst v63  }
0x7e: {  	p1 =	sne.s32 s0, $0x31E0  }
0x7f: {  	[tilespmem:s22], [sflag:$0x2] =	stream.indirect.gather [spmem:s2], $0x80, s21, s15, $0xb8;
	[tilespmem:$0x10D70] =	vst v63  }
.Ltmp0:
0x80: {  	_ = 	snop;
	(pc) =	sbr.rel @p1 .LBB2_2-.Ltmp0, $4  }
0x81: {  	_ =	swait.ge [sflag:s23], $0x4000  }
0x82: {  	s29 =	sadd.s32 $0x2000, s29;
	[sflag:s23] =	ssyncset.done $0x0  }
0x83: {  	s8 =	smov.u32 s0;
	s0 =	sadd.s32 $0x40, s0;
	[sflag:s23] =	ssyncadd.s32 $0xFFFFC000  }
0x84: {  	s11 =	smov.u32 s29;
	s31 =	smov.u32 s8;
	_ =	swait.ge [sflag:s23], $0x4000  }
0x85: {  	s0 =	rddreg [dreg:$0x6];
	[sflag:s23] =	ssyncset.done $0x0;
	s5 =	sadd.s32 $0x200, s30  }
0x86: {  	[sflag:s23] =	ssyncadd.s32 $0xFFFFC000;
	s0 =	sadd.s32 s5, s0  }
0x87: {  	[hbm4b:s11+s3] =	stream.linear.scatter [tilespmem:s16], [sflag:$0x3], $0x8000, $0x38;
	[tilespmem:$0x10D70] =	vst v63  }
0x88: {  	s5 =	sand.u32 $0x200, s5;
	s0 =	sand.u32 $0x7FFC00, s0  }
0x89: {  	s0 =	sor.u32 s5, s0  }
0x8a: {  	s0 =	sshrl.u32 s0, $0x3  }
0x8b: {  	s0 =	sadd.s32 s4, s0  }
0x8c: {  	[tilespmem:s13], [sflag:$0x5] =	stream.linear.gather [hbm4b:s0+s3], $0x100, $0x38;
	[tilespmem:$0x10D70] =	vst v63  }
0x8d: {  	_ =	swait.ge [sflag:s14], $0x100  }
0x8e: {  	[sflag:s14] =	ssyncset.done $0x0  }
0x8f: {  	[sflag:s14] =	ssyncadd.s32 $0xFFFFFF00  }
0x90: {  	_ =	swait.ge [sflag:s24], $0x8000  }
0x91: {  	[sflag:s24] =	ssyncset.done $0x0  }
0x92: {  	[sflag:s24] =	ssyncadd.s32 $0xFFFF8000  }
0x93: {  	[tilespmem:s16], [sflag:$0x1] =	stream.indirect.gather [spmem:s2], $0x80, s13, s15, $0xb8;
	[tilespmem:$0x10D70] =	vst v63  }
0x94: {  	_ = 	snop  }
0x95: {  	[tilespmem:s18], [sflag:$0x1] =	stream.indirect.gather [spmem:s2], $0x80, s17, s15, $0xb8;
	[tilespmem:$0x10D70] =	vst v63  }
0x96: {  	_ =	swait.ge [sflag:s25], $0x4000  }
0x97: {  	[sflag:s25] =	ssyncset.done $0x0  }
0x98: {  	[sflag:s25] =	ssyncadd.s32 $0xFFFFC000  }
0x99: {  	_ =	swait.ge [sflag:s25], $0x4000  }
0x9a: {  	s10 =	sadd.s32 $0x2000, s10;
	[sflag:s25] =	ssyncset.done $0x0;
	s8 =	rddreg [dreg:$0x5]  }
0x9b: {  	s11 =	sand.u32 $0x60, s31;
	[sflag:s25] =	ssyncadd.s32 $0xFFFFC000;
	s0 =	sadd.s32 s31, s8  }
0x9c: {  	[hbm4b:s10+s3] =	stream.linear.scatter [tilespmem:s20], [sflag:$0x4], $0x8000, $0x38;
	[tilespmem:$0x10D70] =	vst v63  }
0x9d: {  	s5 =	sadd.s32 s4, s11;
	s0 =	sand.u32 $0xFFFFF80, s0  }
0x9e: {  	s0 =	sadd.s32 s0, s5  }
0x9f: {  	[tilespmem:s19], [sflag:$0x5] =	stream.linear.gather [hbm4b:s0+s3], $0x100, $0x38;
	[tilespmem:$0x10D70] =	vst v63  }
0xa0: {  	_ =	swait.ge [sflag:s14], $0x100  }
0xa1: {  	[sflag:s14] =	ssyncset.done $0x0  }
0xa2: {  	[sflag:s14] =	ssyncadd.s32 $0xFFFFFF00  }
0xa3: {  	_ =	swait.ge [sflag:s26], $0x8000  }
0xa4: {  	[sflag:s26] =	ssyncset.done $0x0  }
0xa5: {  	[sflag:s26] =	ssyncadd.s32 $0xFFFF8000  }
0xa6: {  	[tilespmem:s20], [sflag:$0x2] =	stream.indirect.gather [spmem:s2], $0x80, s19, s15, $0xb8;
	[tilespmem:$0x10D70] =	vst v63  }
0xa7: {  	_ = 	snop  }
0xa8: {  	[tilespmem:s22], [sflag:$0x2] =	stream.indirect.gather [spmem:s2], $0x80, s21, s15, $0xb8;
	[tilespmem:$0x10D70] =	vst v63  }
0xa9: {  	_ =	swait.ge [sflag:s23], $0x4000  }
0xaa: {  	[sflag:s23] =	ssyncset.done $0x0  }
0xab: {  	[sflag:s23] =	ssyncadd.s32 $0xFFFFC000  }
0xac: {  	_ =	swait.ge [sflag:s23], $0x4000  }
0xad: {  	[sflag:s23] =	ssyncset.done $0x0  }
0xae: {  	s30 =	sadd.s32 $0x2000, s29;
	[sflag:s23] =	ssyncadd.s32 $0xFFFFC000  }
0xaf: {  	[hbm4b:s30+s3] =	stream.linear.scatter [tilespmem:s16], [sflag:$0x3], $0x8000, $0x38;
	[tilespmem:$0x10D70] =	vst v63  }
0xb0: {  	_ =	swait.ge [sflag:s25], $0x4000  }
0xb1: {  	[sflag:s25] =	ssyncset.done $0x0  }
0xb2: {  	[sflag:s25] =	ssyncadd.s32 $0xFFFFC000  }
0xb3: {  	_ =	swait.ge [sflag:s25], $0x4000  }
0xb4: {  	[sflag:s25] =	ssyncset.done $0x0  }
0xb5: {  	s28 =	sadd.s32 $0x1, s28;
	s31 =	rddreg [dreg:$0xa];
	[sflag:s25] =	ssyncadd.s32 $0xFFFFC000  }
0xb6: {  	[hbm4b:s31+s3] =	stream.linear.scatter [tilespmem:s20], [sflag:$0x4], $0x8000, $0x38;
	[tilespmem:$0x10D70] =	vst v63  }
0xb7: {  	p1 =	sne.s32 s28, s9;
	_ =	swait.ge [sflag:s24], $0x8000  }
.Ltmp1:
0xb8: {  	[sflag:s24] =	ssyncset.done $0x0;
	(pc) =	sbr.rel @p1 .LBB2_1-.Ltmp1, $4  }
0xb9: {  	[sflag:s24] =	ssyncadd.s32 $0xFFFF8000  }
0xba: {  	_ =	swait.ge [sflag:s26], $0x8000  }
0xbb: {  	[sflag:s26] =	ssyncset.done $0x0  }
0xbc: {  	[sflag:s26] =	ssyncadd.s32 $0xFFFF8000  }
0xbd: {  	_ =	sfence.sel $0x180000  }
0xbe: {  	[bflag:$0x0] =	sbarrier.arrive $0xFFFF  }
0xbf: {  	_ =	strace $0x90000047  }
0xc0: {  	[bflag:$0x2] =	sbarrier.arrive $0xFFFF  }
0xc1: {  	s0 =	rddreg [dreg:$0x4]  }
0xc2: {  	s0 =	sadd.s32 @!p0 $0x100000, s0  }
0xc3: {  	[sflag:s0] =	ssyncadd.tile.s32 @!p0 $0x1;
	_ =	shalt  }
.Lfunc_end2:
_tile_overlayer_lowered:
.L_overlay_start_2:
0xc4: {  	(tag) =	ssettag $0x2  }
0xc5: {  	s0 =	rddreg [dreg:$0x0];
	s2 =	stileid.u32  }
0xc6: {  	s1 =	rddreg [dreg:$0x1];
	p0 =	sne.s32 s2, $0x0  }
0xc7: {  	s3 =	rddreg [dreg:$0x2];
	[bflag:$0x3] =	sbarrier.arrive $0xFFFF;
	s2 =	simm.s32 @!p0 $0x1C05  }
0xc8: {  	[timem:s3], [sflag:s2] =	dma.local @!p0 [hbm:s0], s1  }
0xc9: {  	s0 =	simm.s32 @!p0 $0x5  }
0xca: {  	_ =	swait.ge @!p0 [sflag:s0], s1  }
0xcb: {  	s1 =	ssub.s32 @!p0 $0x0, s1;
	[sflag:s0] =	ssyncset.done @!p0 $0x0  }
0xcc: {  	[sflag:s0] =	ssyncadd.s32 @!p0 s1  }
0xcd: {  	[bflag:$0x3] =	sbarrier.arrive $0xFFFF  }
0xce: {  	_ =	shalt  }

</sc_bundles>
